<compile_context>
chip_gen: v7x
topology: tpu7x:2x2x1
jax: 0.10.2.dev20260603
libtpu: 0.0.44.dev20260713+nightly
codegen_flags: <defaults>
</compile_context>

<pallas_src>
import functools

import jax
import jax.numpy as jnp
from jax import lax
from jax.experimental import pallas as pl
from jax.experimental.pallas import tpu as pltpu
from jax.experimental.pallas import tpu_sc as plsc

N = 883
NP = 896
E = 14128
NW = 32
RPW = 28
ROWW = RPW * NP



def _sc_body(edge_hbm, out_hbm, rows_v, cols_v, cmat_v):
    c = lax.axis_index("c")
    s = lax.axis_index("s")
    wid = s * 2 + c
    base = wid * RPW

    pltpu.sync_copy(edge_hbm.at[0], rows_v)
    pltpu.sync_copy(edge_hbm.at[1], cols_v)

    def zero_body(i, carry):
        cmat_v[pl.ds(i * 16, 16)] = jnp.zeros((16,), jnp.float32)
        return carry

    lax.fori_loop(0, ROWW // 16, zero_body, 0)

    ones = jnp.ones((16,), jnp.float32)

    def edge_body(i, carry):
        r = rows_v[pl.ds(i * 16, 16)]
        cc = cols_v[pl.ds(i * 16, 16)]
        m = (r >= base) & (r < base + RPW) & (r != cc)
        flat = jnp.where(m, (r - base) * NP + cc, 0)
        plsc.addupdate_scatter(cmat_v, [flat], ones, mask=m)
        return carry

    lax.fori_loop(0, E // 16, edge_body, 0)

    pltpu.sync_copy(cmat_v, out_hbm.at[wid])


@functools.cache
def _sc_count_fn():
    return pl.kernel(
        _sc_body,
        out_type=jax.ShapeDtypeStruct((NW, ROWW), jnp.float32),
        mesh=plsc.VectorSubcoreMesh(core_axis_name="c", subcore_axis_name="s"),
        compiler_params=pltpu.CompilerParams(needs_layout_passes=False),
        scratch_types=[
            pltpu.VMEM((E,), jnp.int32),
            pltpu.VMEM((E,), jnp.int32),
            pltpu.VMEM((ROWW,), jnp.float32),
        ],
    )



def _dot(a, b):
    return jnp.dot(a, b, preferred_element_type=jnp.float32)


def _dot_nt(a, b):
    return lax.dot_general(a, b, (((1,), (1,)), ((), ())),
                           preferred_element_type=jnp.float32)


def _dot_tn(a, b):
    return lax.dot_general(a, b, (((0,), (0,)), ((), ())),
                           preferred_element_type=jnp.float32)


def _sig(z):
    return 1.0 / (1.0 + jnp.exp(-z))


def _softmax0(z):
    mx = jnp.max(z, axis=0, keepdims=True)
    e = jnp.exp(z - mx)
    return e / jnp.sum(e, axis=0, keepdims=True)


def _layer_norm(y, g, b):
    mu = jnp.mean(y, axis=1, keepdims=True)
    var = jnp.mean((y - mu) * (y - mu), axis=1, keepdims=True)
    return (y - mu) * lax.rsqrt(var + 1e-5) * g + b


def _tc_body(cmat_ref, x_ref,
             u1r0, u2r0, u3s0, be0, ve0, w1c0, w2r0, w3s0, bs0, vs0,
             cw0, cb0, twt0, tb0, rw0, rb0, g0, bb0,
             u1r1, u2p1, u3c1, be1, ve1, w1r1, w2b1, w3c1, bs1, vs1,
             cw1, cb1, twt1, tb1, rwt1, rb1, g1, bb1,
             fwt, fb, out_ref):
    rmask = lax.broadcasted_iota(jnp.int32, (NP, 1), 0) < N
    eye = (lax.broadcasted_iota(jnp.int32, (NP, NP), 0)
           == lax.broadcasted_iota(jnp.int32, (NP, NP), 1))

    def softmax0_masked(z):
        zm = jnp.where(rmask, z, -1e30)
        mx = jnp.max(zm, axis=0, keepdims=True)
        e = jnp.where(rmask, jnp.exp(zm - mx), 0.0)
        return e / jnp.sum(e, axis=0, keepdims=True)

    def diag_col(smat):
        return jnp.sum(jnp.where(eye, smat, 0.0), axis=1, keepdims=True)

    cmat = cmat_ref[...]
    deg = jnp.sum(cmat, axis=1, keepdims=True)
    dis = jnp.where(deg > 0.0, lax.rsqrt(jnp.maximum(deg, 1e-30)), 0.0)
    nmat = -(_dot_nt(dis, dis) * cmat)

    def _tile(w, nr, nc):
        row = jnp.concatenate([w] * nc, axis=1)
        return jnp.concatenate([row] * nr, axis=0) if nr > 1 else row

    bi66 = lax.broadcasted_iota(jnp.int32, (384, 384), 0) // 64
    bj66 = lax.broadcasted_iota(jnp.int32, (384, 384), 1) // 64
    zero66 = jnp.zeros((384, 384), jnp.float32)
    bd_mean = jnp.where(bi66 == bj66, 1.0 / 64.0, 0.0)
    bd_cw1 = [jnp.where(bi66 == bj66, _tile(cw1[k], 6, 6), zero66)
              for k in range(3)]
    tw1m = sum(jnp.where(bi66 - bj66 == k - 1, _tile(twt1[k], 6, 6), zero66)
               for k in range(3))
    bd_rw1 = jnp.where(bi66 == bj66, _tile(rwt1[...], 6, 6), zero66)

    i12x768 = lax.broadcasted_iota(jnp.int32, (12, 768), 0)
    j12x768 = lax.broadcasted_iota(jnp.int32, (12, 768), 1) // 64
    w_all = jnp.concatenate(
        [jnp.where(i12x768 == j12x768, _tile(cw0[k:k + 1, :], 1, 12), 0.0)
         for k in range(3)], axis=0)
    bi126 = lax.broadcasted_iota(jnp.int32, (768, 384), 0) // 64
    bj126 = lax.broadcasted_iota(jnp.int32, (768, 384), 1) // 64
    zero126 = jnp.zeros((768, 384), jnp.float32)
    tw0m = sum(jnp.where(bi126 - 2 * bj126 == k - 1, _tile(twt0[k], 12, 6),
                         zero126) for k in range(3))
    i12x384 = lax.broadcasted_iota(jnp.int32, (12, 384), 0)
    j12x384 = lax.broadcasted_iota(jnp.int32, (12, 384), 1) // 64
    rw0m = jnp.where(i12x384 == 2 * j12x384, _tile(rw0[...], 1, 6), 0.0)
    i384x6 = lax.broadcasted_iota(jnp.int32, (384, 6), 0) // 64
    j384x6 = lax.broadcasted_iota(jnp.int32, (384, 6), 1)
    u3bd = jnp.where(i384x6 == j384x6, _tile(u3c1[...], 6, 1), 0.0)
    w3bd = jnp.where(i384x6 == j384x6, _tile(w3c1[...], 6, 1), 0.0)
    w2tile = _tile(w2b1[...], 6, 1)

    cb0t = _tile(cb0[...], 1, 12)
    tb0t = _tile(tb0[...], 1, 6)
    rb0t = _tile(rb0[...], 1, 6)
    g0t = _tile(g0[...], 1, 6)
    bb0t = _tile(bb0[...], 1, 6)
    cb1t = _tile(cb1[...], 1, 6)
    tb1t = _tile(tb1[...], 1, 6)
    rb1t = _tile(rb1[...], 1, 6)
    g1t = _tile(g1[...], 1, 6)
    bb1t = _tile(bb1[...], 1, 6)

    def layer_norm_blockwise(y, g, b):
        mu = _dot(y, bd_mean)
        ctr = y - mu
        var = _dot(ctr * ctr, bd_mean)
        return ctr * lax.rsqrt(var + 1e-5) * g + b

    for b in range(2):
        x0 = x_ref[b]

        u1x = _dot(u1r0[...], x0)
        rhs_t = u3s0[...] * x0
        v = _dot(u2r0[...], rhs_t)
        p = _dot_tn(u1x, v)
        et = _softmax0(_dot(ve0[...], _sig(p + be0[...])))
        xt = _dot(x0, et)

        sw1 = _dot(xt, w1c0[...])
        lhs_s = _dot(sw1, w2r0[...])
        rhs_s = w3s0[...] * xt
        spre = _dot_nt(lhs_s, rhs_s) + bs0[...]
        smat = softmax0_masked(_dot(vs0[...], _sig(spre)))

        dcol = diag_col(smat)
        tx0 = dcol * x0
        tx1 = _dot(nmat * smat, tx0)
        tx2 = 2.0 * _dot(nmat, tx1) - tx0
        txc = jnp.concatenate([tx0, tx1, tx2], axis=1)

        xh0c = jnp.maximum(_dot(txc, w_all) + cb0t, 0.0)
        y0 = jnp.maximum(_dot(xh0c, tw0m) + tb0t
                         + _dot(x0, rw0m) + rb0t, 0.0)
        xlc = layer_norm_blockwise(y0, g0t, bb0t)

        u1row = _dot(u1r1[...], xlc)
        rhsm = _dot(xlc, u3bd)
        m1 = _dot(u2p1[...], rhsm)
        p1 = jnp.concatenate(
            [_dot(lax.slice(u1row, (0, 64 * t), (1, 64 * t + 64)), m1)
             for t in range(6)], axis=0)
        et1 = _softmax0(_dot(ve1[...], _sig(p1 + be1[...])))

        acoef = _dot_nt(et1, w1r1[...])
        atile = jnp.concatenate(
            [jnp.broadcast_to(lax.slice(acoef, (t, 0), (t + 1, 1)), (64, 1))
             for t in range(6)], axis=0)
        lhs1 = _dot(xlc, atile * w2tile)
        zm = _dot(xlc, w3bd)
        rhs1 = _dot(zm, et1)
        spre1 = _dot_nt(lhs1, rhs1) + bs1[...]
        smat1 = softmax0_masked(_dot(vs1[...], _sig(spre1)))

        dcol1 = diag_col(smat1)
        tx0c = dcol1 * xlc
        tx1c = _dot(nmat * smat1, tx0c)
        tx2c = 2.0 * _dot(nmat, tx1c) - tx0c
        xh1c = jnp.maximum(_dot(tx0c, bd_cw1[0]) + _dot(tx1c, bd_cw1[1])
                           + _dot(tx2c, bd_cw1[2]) + cb1t, 0.0)
        y1 = jnp.maximum(_dot(xh1c, tw1m) + tb1t
                         + _dot(xlc, bd_rw1) + rb1t, 0.0)
        x2c = layer_norm_blockwise(y1, g1t, bb1t)

        ob = jnp.maximum(_dot(x2c, fwt[...]) + fb[...], 0.0)
        out_ref[b] = ob


def _padn(a, axis):
    pad = [(0, 0)] * a.ndim
    pad[axis] = (0, NP - N)
    return jnp.pad(a, pad)


def _prep_operands(x, params):
    p0 = params['block0']
    p1 = params['block1']
    xp = _padn(x[:, :, 0, :], 1)
    ops = [
        xp,
        _padn(p0['U1'][None, :], 1),
        _padn(p0['U2'], 1),
        p0['U3'][None, :],
        p0['be'][0],
        p0['Ve'],
        p0['W1'][:, None],
        p0['W2'],
        p0['W3'][None, :],
        _padn(_padn(p0['bs'][0], 0), 1),
        _padn(_padn(p0['Vs'], 0), 1),
        p0['cheb_w'][:, 0, :],
        p0['cheb_b'][None, :],
        jnp.transpose(p0['time_w'][:, :, 0, :], (2, 1, 0)),
        p0['time_b'][None, :],
        p0['res_w'][:, 0, 0, 0][None, :],
        p0['res_b'][None, :],
        p0['ln_g'][None, :],
        p0['ln_b'][None, :],
        _padn(p1['U1'][None, :], 1),
        _padn(p1['U2'], 1),
        p1['U3'][:, None],
        p1['be'][0],
        p1['Ve'],
        p1['W1'][None, :],
        p1['W2'],
        p1['W3'][:, None],
        _padn(_padn(p1['bs'][0], 0), 1),
        _padn(_padn(p1['Vs'], 0), 1),
        p1['cheb_w'],
        p1['cheb_b'][None, :],
        jnp.transpose(p1['time_w'][:, :, 0, :], (2, 1, 0)),
        p1['time_b'][None, :],
        jnp.transpose(p1['res_w'][:, :, 0, 0]),
        p1['res_b'][None, :],
        p1['ln_g'][None, :],
        p1['ln_b'][None, :],
        jnp.transpose(params['final_w'].reshape(12, 6 * 64)),
        params['final_b'][None, :],
    ]
    return ops


def _tc_model(cmat, ops):
    return pl.pallas_call(
        _tc_body,
        out_shape=jax.ShapeDtypeStruct((2, NP, 12), jnp.float32),
    )(cmat, *ops)


def kernel(x, edge_index, params):
    cmat = _sc_count_fn()(edge_index).reshape(NP, NP)
    out = _tc_model(cmat, _prep_operands(x, params))
    return out[:, :N, :]

# --- scband reference (transcript-rebuilt; emitter-appended) ---
"""Pipeline reference for scband-astgcnmodel-25451976196934 (READ-ONLY COPY).

The authoritative reference and input builder live on the scoring server;
editing this copy changes nothing except your own understanding.
"""

import jax, jax.numpy as jnp
import numpy as np

B = 2
N_NODES = 883
N_EDGES = 14128
F_IN = 1
T_IN = 12
K_CHEB = 3
NB_CHEV = 64
NB_TIME = 64
N_TARGET = 12
TIME_STRIDES = 2


def _make_params(key):
    kit = iter(jax.random.split(key, 40))
    def rn(shape, s=0.1):
        return jax.random.normal(next(kit), shape, dtype=jnp.float32) * s
    def block(f_in, t_in):
        return {
            'U1': rn((N_NODES,)), 'U2': rn((f_in, N_NODES)), 'U3': rn((f_in,)),
            'be': rn((1, t_in, t_in)), 'Ve': rn((t_in, t_in)),
            'W1': rn((t_in,)), 'W2': rn((f_in, t_in)), 'W3': rn((f_in,)),
            'bs': rn((1, N_NODES, N_NODES), 0.02), 'Vs': rn((N_NODES, N_NODES), 0.02),
            'cheb_w': rn((K_CHEB, f_in, NB_CHEV)), 'cheb_b': rn((NB_CHEV,)),
            'time_w': rn((NB_TIME, NB_CHEV, 1, 3)), 'time_b': rn((NB_TIME,)),
            'res_w': rn((NB_TIME, f_in, 1, 1)), 'res_b': rn((NB_TIME,)),
            'ln_g': jnp.ones((NB_TIME,), jnp.float32), 'ln_b': jnp.zeros((NB_TIME,), jnp.float32),
        }
    return {
        'block0': block(F_IN, T_IN),
        'block1': block(NB_TIME, T_IN // TIME_STRIDES),
        'final_w': rn((N_TARGET, T_IN // TIME_STRIDES, 1, NB_TIME)),
        'final_b': rn((N_TARGET,)),
    }


def setup_inputs(seed: int = 0):
    key = jax.random.key(seed)
    k1, k2, k3 = jax.random.split(key, 3)
    x = jax.random.normal(k1, (B, N_NODES, F_IN, T_IN), dtype=jnp.float32)
    edge_index = jax.random.randint(k2, (2, N_EDGES), 0, N_NODES, dtype=jnp.int32)
    params = _make_params(k3)
    return {'x': x, 'edge_index': edge_index, 'params': params}


def _temporal_attention(X, p):
    LHS = jnp.einsum('bnft,n->btf', X, p['U1']) @ p['U2']
    RHS = jnp.einsum('f,bnft->bnt', p['U3'], X)
    E = jnp.matmul(p['Ve'], jax.nn.sigmoid(jnp.matmul(LHS, RHS) + p['be']))
    return jax.nn.softmax(E, axis=1)


def _spatial_attention(X, p):
    LHS = jnp.einsum('bnft,t->bnf', X, p['W1']) @ p['W2']
    RHS = jnp.swapaxes(jnp.einsum('f,bnft->bnt', p['W3'], X), -1, -2)
    S = jnp.matmul(p['Vs'], jax.nn.sigmoid(jnp.matmul(LHS, RHS) + p['bs']))
    return jax.nn.softmax(S, axis=1)


def _cheb_conv_attention(x, edge_index, att, weight, bias):
    # x: (B,N,F); att: (B,N,N); 'sym' normalization with lambda_max=2.0
    row, col = edge_index[0], edge_index[1]
    w = (row != col).astype(x.dtype)  # remove self loops
    deg = jnp.zeros((x.shape[1],), x.dtype).at[row].add(w)
    dis = jnp.where(deg > 0, deg ** -0.5, 0.0)
    norm = -dis[row] * w * dis[col]  # scaled-Laplacian edge weights; diag terms cancel to 0
    att_norm = norm[None, :] * att[:, row, col]  # (B,E)
    Tx0 = jnp.diagonal(att, axis1=1, axis2=2)[:, :, None] * x
    out = jnp.matmul(Tx0, weight[0])
    Tx1 = Tx0
    if weight.shape[0] > 1:
        msgs = att_norm[:, :, None] * Tx0[:, col, :]
        Tx1 = jnp.zeros_like(Tx0).at[:, row, :].add(msgs)
        out = out + jnp.matmul(Tx1, weight[1])
    for k in range(2, weight.shape[0]):
        msgs = norm[None, :, None] * Tx1[:, col, :]
        Tx2 = 2.0 * jnp.zeros_like(Tx1).at[:, row, :].add(msgs) - Tx0
        out = out + jnp.matmul(Tx2, weight[k])
        Tx0, Tx1 = Tx1, Tx2
    return out + bias


def _conv2d(x, w, b, stride, padding):
    out = jax.lax.conv_general_dilated(x, w, window_strides=stride, padding=padding,
                                       dimension_numbers=('NCHW', 'OIHW', 'NCHW'))
    return out + b[None, :, None, None]


def _layer_norm(x, g, b):
    mu = jnp.mean(x, axis=-1, keepdims=True)
    var = jnp.var(x, axis=-1, keepdims=True)
    return (x - mu) / jnp.sqrt(var + 1e-5) * g + b


def _block(X, edge_index, p, time_strides):
    Bsz, Nn, Ff, Tt = X.shape
    Et = _temporal_attention(X, p)
    Xt = jnp.matmul(X.reshape(Bsz, -1, Tt), Et).reshape(Bsz, Nn, Ff, Tt)
    S = _spatial_attention(Xt, p)
    data = [_cheb_conv_attention(X[:, :, :, t], edge_index, S, p['cheb_w'], p['cheb_b']) for t in range(Tt)]
    X_hat = jax.nn.relu(jnp.stack(data, axis=-1))  # (B,N,C,T)
    X_hat = _conv2d(jnp.transpose(X_hat, (0, 2, 1, 3)), p['time_w'], p['time_b'], (1, time_strides), [(0, 0), (1, 1)])
    X_res = _conv2d(jnp.transpose(X, (0, 2, 1, 3)), p['res_w'], p['res_b'], (1, time_strides), [(0, 0), (0, 0)])
    Xo = jnp.transpose(jax.nn.relu(X_res + X_hat), (0, 3, 2, 1))  # (B,T',N,C)
    Xo = _layer_norm(Xo, p['ln_g'], p['ln_b'])
    return jnp.transpose(Xo, (0, 2, 3, 1))  # (B,N,C,T')


def _astgcn(x, edge_index, params):
    X = _block(x, edge_index, params['block0'], TIME_STRIDES)
    X = _block(X, edge_index, params['block1'], 1)
    out = _conv2d(jnp.transpose(X, (0, 3, 1, 2)), params['final_w'], params['final_b'], (1, 1), [(0, 0), (0, 0)])
    out = jnp.transpose(out[:, :, :, -1], (0, 2, 1))  # (B,N,n_target)
    return jax.nn.relu(out)  # wrapper's F.relu


def reference(x, edge_index, params):
    return _astgcn(x, edge_index, params)

if __name__ == "__main__":
    import jax
    _d = setup_inputs()
    print(jax.jit(kernel)(*tuple(_d.values())))

</pallas_src>

<mosaic_0001>
#map = affine_map<(d0, d1) -> (0, 0)>
module attributes {stable_mosaic.version = 14 : i64} {
  func.func @_sc_body(%arg0: i32, %arg1: i32, %arg2: memref<2x14128xi32, #tpu.memory_space<hbm>>, %arg3: memref<32x25088xf32, #tpu.memory_space<hbm>>, %arg4: memref<14128xi32, #tpu.memory_space<vmem>>, %arg5: memref<14128xi32, #tpu.memory_space<vmem>>, %arg6: memref<25088xf32, #tpu.memory_space<vmem>>) attributes {dimension_semantics = [#tpu.dimension_semantics<core_parallel>, #tpu.dimension_semantics<subcore_parallel>], iteration_bounds = array<i64: 2, 16>, scalar_prefetch = 0 : i64, scratch_operands = 3 : i64, tpu.core_type = #tpu.core_type<sc_vector_subcore>, window_params = [{transform_indices = #map}, {transform_indices = #map}]} {
    %mul3A = arith.constant 2 : i32
    %mul3A_0 = arith.muli %arg1, %mul3A : i32
    %add3A = arith.addi %mul3A_0, %arg0 : i32
    %mul3A_1 = arith.constant 28 : i32
    %mul3A_2 = arith.muli %add3A, %mul3A_1 : i32
    %run_scoped3A = arith.constant 0 : i32
    "tpu.region"() ({
      %run_scoped3A_16 = tpu.sem_alloc : memref<!tpu.dma_semaphore, #tpu.memory_space<semaphore_mem>>
      %dma_start3A = arith.constant 0 : i32
      %dma_start3A_17 = tpu.memref_slice %arg2[%run_scoped3A, %dma_start3A] : memref<2x14128xi32, #tpu.memory_space<hbm>> -> memref<1x14128xi32, #tpu.memory_space<hbm>>
      %dma_start3A_18 = tpu.memref_squeeze %dma_start3A_17 : memref<1x14128xi32, #tpu.memory_space<hbm>> -> memref<14128xi32, #tpu.memory_space<hbm>>
      %dma_start3A_19 = arith.constant 0 : i32
      %dma_start3A_20 = tpu.memref_slice %arg2[%run_scoped3A, %dma_start3A_19] : memref<2x14128xi32, #tpu.memory_space<hbm>> -> memref<1x14128xi32, #tpu.memory_space<hbm>>
      %dma_start3A_21 = tpu.memref_squeeze %dma_start3A_20 : memref<1x14128xi32, #tpu.memory_space<hbm>> -> memref<14128xi32, #tpu.memory_space<hbm>>
      tpu.enqueue_dma source(%dma_start3A_21 : memref<14128xi32, #tpu.memory_space<hbm>>) target(%arg4 : memref<14128xi32, #tpu.memory_space<vmem>>) target_semaphore(%run_scoped3A_16 : memref<!tpu.dma_semaphore, #tpu.memory_space<semaphore_mem>>)
      %dma_wait3A = arith.constant 0 : i32
      %dma_wait3A_22 = tpu.memref_slice %arg2[%run_scoped3A, %dma_wait3A] : memref<2x14128xi32, #tpu.memory_space<hbm>> -> memref<1x14128xi32, #tpu.memory_space<hbm>>
      %dma_wait3A_23 = tpu.memref_squeeze %dma_wait3A_22 : memref<1x14128xi32, #tpu.memory_space<hbm>> -> memref<14128xi32, #tpu.memory_space<hbm>>
      %dma_wait3A_24 = arith.constant 0 : i32
      %dma_wait3A_25 = tpu.memref_slice %arg2[%run_scoped3A, %dma_wait3A_24] : memref<2x14128xi32, #tpu.memory_space<hbm>> -> memref<1x14128xi32, #tpu.memory_space<hbm>>
      %dma_wait3A_26 = tpu.memref_squeeze %dma_wait3A_25 : memref<1x14128xi32, #tpu.memory_space<hbm>> -> memref<14128xi32, #tpu.memory_space<hbm>>
      tpu.wait_dma2 semaphore(%run_scoped3A_16 : memref<!tpu.dma_semaphore, #tpu.memory_space<semaphore_mem>>) src(%dma_wait3A_26 : memref<14128xi32, #tpu.memory_space<hbm>>) dst(%arg4 : memref<14128xi32, #tpu.memory_space<vmem>>)
      tpu.yield
    }) : () -> ()
    %run_scoped3A_3 = arith.constant 1 : i32
    "tpu.region"() ({
      %run_scoped3A_16 = tpu.sem_alloc : memref<!tpu.dma_semaphore, #tpu.memory_space<semaphore_mem>>
      %dma_start3A = arith.constant 0 : i32
      %dma_start3A_17 = tpu.memref_slice %arg2[%run_scoped3A_3, %dma_start3A] : memref<2x14128xi32, #tpu.memory_space<hbm>> -> memref<1x14128xi32, #tpu.memory_space<hbm>>
      %dma_start3A_18 = tpu.memref_squeeze %dma_start3A_17 : memref<1x14128xi32, #tpu.memory_space<hbm>> -> memref<14128xi32, #tpu.memory_space<hbm>>
      %dma_start3A_19 = arith.constant 0 : i32
      %dma_start3A_20 = tpu.memref_slice %arg2[%run_scoped3A_3, %dma_start3A_19] : memref<2x14128xi32, #tpu.memory_space<hbm>> -> memref<1x14128xi32, #tpu.memory_space<hbm>>
      %dma_start3A_21 = tpu.memref_squeeze %dma_start3A_20 : memref<1x14128xi32, #tpu.memory_space<hbm>> -> memref<14128xi32, #tpu.memory_space<hbm>>
      tpu.enqueue_dma source(%dma_start3A_21 : memref<14128xi32, #tpu.memory_space<hbm>>) target(%arg5 : memref<14128xi32, #tpu.memory_space<vmem>>) target_semaphore(%run_scoped3A_16 : memref<!tpu.dma_semaphore, #tpu.memory_space<semaphore_mem>>)
      %dma_wait3A = arith.constant 0 : i32
      %dma_wait3A_22 = tpu.memref_slice %arg2[%run_scoped3A_3, %dma_wait3A] : memref<2x14128xi32, #tpu.memory_space<hbm>> -> memref<1x14128xi32, #tpu.memory_space<hbm>>
      %dma_wait3A_23 = tpu.memref_squeeze %dma_wait3A_22 : memref<1x14128xi32, #tpu.memory_space<hbm>> -> memref<14128xi32, #tpu.memory_space<hbm>>
      %dma_wait3A_24 = arith.constant 0 : i32
      %dma_wait3A_25 = tpu.memref_slice %arg2[%run_scoped3A_3, %dma_wait3A_24] : memref<2x14128xi32, #tpu.memory_space<hbm>> -> memref<1x14128xi32, #tpu.memory_space<hbm>>
      %dma_wait3A_26 = tpu.memref_squeeze %dma_wait3A_25 : memref<1x14128xi32, #tpu.memory_space<hbm>> -> memref<14128xi32, #tpu.memory_space<hbm>>
      tpu.wait_dma2 semaphore(%run_scoped3A_16 : memref<!tpu.dma_semaphore, #tpu.memory_space<semaphore_mem>>) src(%dma_wait3A_26 : memref<14128xi32, #tpu.memory_space<hbm>>) dst(%arg5 : memref<14128xi32, #tpu.memory_space<vmem>>)
      tpu.yield
    }) : () -> ()
    %scan3A = arith.constant 0 : i32
    %scan3A_4 = arith.constant 0 : i32
    %scan3A_5 = arith.constant 1568 : i32
    %scan3A_6 = arith.addi %scan3A_4, %scan3A_5 : i32
    %scan3A_7 = arith.constant 1 : i32
    scf.for %scan3A_16 = %scan3A_4 to %scan3A_6 step %scan3A_7  : i32 {
      %broadcast_in_dim3A_17 = arith.constant 0.000000e+00 : f32
      %broadcast_in_dim3A_18 = vector.broadcast %broadcast_in_dim3A_17 : f32 to vector<16xf32>
      %mul3A_19 = arith.constant 16 : i32
      %mul3A_20 = arith.muli %scan3A_16, %mul3A_19 : i32
      %swap3A = arith.index_cast %mul3A_20 : i32 to index
      %swap3A_21 = tpu.vector_load %arg6[%swap3A] {strides = array<i32>} : memref<25088xf32, #tpu.memory_space<vmem>>, vector<16xf32>,
      tpu.vector_store %arg6[%swap3A], %broadcast_in_dim3A_18 {strides = array<i32>} : memref<25088xf32, #tpu.memory_space<vmem>>, vector<16xf32>,
    }
    %scan3A_8 = arith.constant 1568 : i32
    %broadcast_in_dim3A = arith.constant 1.000000e+00 : f32
    %broadcast_in_dim3A_9 = vector.broadcast %broadcast_in_dim3A : f32 to vector<16xf32>
    %scan3A_10 = arith.constant 0 : i32
    %scan3A_11 = arith.constant 0 : i32
    %scan3A_12 = arith.constant 883 : i32
    %scan3A_13 = arith.addi %scan3A_11, %scan3A_12 : i32
    %scan3A_14 = arith.constant 1 : i32
    scf.for %scan3A_16 = %scan3A_11 to %scan3A_13 step %scan3A_14  : i32 {
      %mul3A_17 = arith.constant 16 : i32
      %mul3A_18 = arith.muli %scan3A_16, %mul3A_17 : i32
      %get3A = arith.index_cast %mul3A_18 : i32 to index
      %get3A_19 = tpu.vector_load %arg4[%get3A] {strides = array<i32>} : memref<14128xi32, #tpu.memory_space<vmem>>, vector<16xi32>,
      %mul3A_20 = arith.constant 16 : i32
      %mul3A_21 = arith.muli %scan3A_16, %mul3A_20 : i32
      %get3A_22 = arith.index_cast %mul3A_21 : i32 to index
      %get3A_23 = tpu.vector_load %arg5[%get3A_22] {strides = array<i32>} : memref<14128xi32, #tpu.memory_space<vmem>>, vector<16xi32>,
      %ge3A = vector.broadcast %mul3A_2 : i32 to vector<16xi32>
      %ge3A_24 = arith.cmpi sge, %get3A_19, %ge3A : vector<16xi32>
      %add3A_25 = arith.constant 28 : i32
      %add3A_26 = arith.addi %mul3A_2, %add3A_25 : i32
      %lt3A = vector.broadcast %add3A_26 : i32 to vector<16xi32>
      %lt3A_27 = arith.cmpi slt, %get3A_19, %lt3A : vector<16xi32>
      %and3A = arith.andi %ge3A_24, %lt3A_27 : vector<16xi1>
      %ne3A = arith.cmpi ne, %get3A_19, %get3A_23 : vector<16xi32>
      %and3A_28 = arith.andi %and3A, %ne3A : vector<16xi1>
      %sub3A = vector.broadcast %mul3A_2 : i32 to vector<16xi32>
      %sub3A_29 = arith.subi %get3A_19, %sub3A : vector<16xi32>
      %mul3A_30 = arith.constant 896 : i32
      %mul3A_31 = vector.broadcast %mul3A_30 : i32 to vector<16xi32>
      %mul3A_32 = arith.muli %sub3A_29, %mul3A_31 : vector<16xi32>
      %add3A_33 = arith.addi %mul3A_32, %get3A_23 : vector<16xi32>
      %jit3A = arith.constant 0 : i32
      %broadcast_in_dim3A_34 = vector.broadcast %jit3A : i32 to vector<16xi32>
      %select_n3A = arith.select %and3A_28, %add3A_33, %broadcast_in_dim3A_34 : vector<16xi1>, vector<16xi32>
      tpu.vector_store_idx %arg6[%select_n3A], %broadcast_in_dim3A_9 masked %and3A_28 {add = true} : memref<25088xf32, #tpu.memory_space<vmem>>[vector<16xi32>], vector<16xf32>, vector<16xi1>
    }
    %scan3A_15 = arith.constant 883 : i32
    "tpu.region"() ({
      %run_scoped3A_16 = tpu.sem_alloc : memref<!tpu.dma_semaphore, #tpu.memory_space<semaphore_mem>>
      %dma_start3A = arith.constant 0 : i32
      %dma_start3A_17 = tpu.memref_slice %arg3[%add3A, %dma_start3A] : memref<32x25088xf32, #tpu.memory_space<hbm>> -> memref<1x25088xf32, #tpu.memory_space<hbm>>
      %dma_start3A_18 = tpu.memref_squeeze %dma_start3A_17 : memref<1x25088xf32, #tpu.memory_space<hbm>> -> memref<25088xf32, #tpu.memory_space<hbm>>
      %dma_start3A_19 = arith.constant 0 : i32
      %dma_start3A_20 = tpu.memref_slice %arg3[%add3A, %dma_start3A_19] : memref<32x25088xf32, #tpu.memory_space<hbm>> -> memref<1x25088xf32, #tpu.memory_space<hbm>>
      %dma_start3A_21 = tpu.memref_squeeze %dma_start3A_20 : memref<1x25088xf32, #tpu.memory_space<hbm>> -> memref<25088xf32, #tpu.memory_space<hbm>>
      tpu.enqueue_dma source(%arg6 : memref<25088xf32, #tpu.memory_space<vmem>>) target(%dma_start3A_21 : memref<25088xf32, #tpu.memory_space<hbm>>) target_semaphore(%run_scoped3A_16 : memref<!tpu.dma_semaphore, #tpu.memory_space<semaphore_mem>>)
      %dma_wait3A = arith.constant 0 : i32
      %dma_wait3A_22 = tpu.memref_slice %arg3[%add3A, %dma_wait3A] : memref<32x25088xf32, #tpu.memory_space<hbm>> -> memref<1x25088xf32, #tpu.memory_space<hbm>>
      %dma_wait3A_23 = tpu.memref_squeeze %dma_wait3A_22 : memref<1x25088xf32, #tpu.memory_space<hbm>> -> memref<25088xf32, #tpu.memory_space<hbm>>
      %dma_wait3A_24 = arith.constant 0 : i32
      %dma_wait3A_25 = tpu.memref_slice %arg3[%add3A, %dma_wait3A_24] : memref<32x25088xf32, #tpu.memory_space<hbm>> -> memref<1x25088xf32, #tpu.memory_space<hbm>>
      %dma_wait3A_26 = tpu.memref_squeeze %dma_wait3A_25 : memref<1x25088xf32, #tpu.memory_space<hbm>> -> memref<25088xf32, #tpu.memory_space<hbm>>
      tpu.wait_dma2 semaphore(%run_scoped3A_16 : memref<!tpu.dma_semaphore, #tpu.memory_space<semaphore_mem>>) src(%arg6 : memref<25088xf32, #tpu.memory_space<vmem>>) dst(%dma_wait3A_26 : memref<25088xf32, #tpu.memory_space<hbm>>)
      tpu.yield
    }) : () -> ()
    return
  }
}

module attributes {stable_mosaic.version = 14 : i64} {
  func.func @_tc_body(%arg0: memref<896x896xf32, #tpu.memory_space<vmem>>, %arg1: memref<2x896x12xf32, #tpu.memory_space<vmem>>, %arg2: memref<1x896xf32, #tpu.memory_space<vmem>>, %arg3: memref<1x896xf32, #tpu.memory_space<vmem>>, %arg4: memref<1x1xf32, #tpu.memory_space<vmem>>, %arg5: memref<12x12xf32, #tpu.memory_space<vmem>>, %arg6: memref<12x12xf32, #tpu.memory_space<vmem>>, %arg7: memref<12x1xf32, #tpu.memory_space<vmem>>, %arg8: memref<1x12xf32, #tpu.memory_space<vmem>>, %arg9: memref<1x1xf32, #tpu.memory_space<vmem>>, %arg10: memref<896x896xf32, #tpu.memory_space<vmem>>, %arg11: memref<896x896xf32, #tpu.memory_space<vmem>>, %arg12: memref<3x64xf32, #tpu.memory_space<vmem>>, %arg13: memref<1x64xf32, #tpu.memory_space<vmem>>, %arg14: memref<3x64x64xf32, #tpu.memory_space<vmem>>, %arg15: memref<1x64xf32, #tpu.memory_space<vmem>>, %arg16: memref<1x64xf32, #tpu.memory_space<vmem>>, %arg17: memref<1x64xf32, #tpu.memory_space<vmem>>, %arg18: memref<1x64xf32, #tpu.memory_space<vmem>>, %arg19: memref<1x64xf32, #tpu.memory_space<vmem>>, %arg20: memref<1x896xf32, #tpu.memory_space<vmem>>, %arg21: memref<64x896xf32, #tpu.memory_space<vmem>>, %arg22: memref<64x1xf32, #tpu.memory_space<vmem>>, %arg23: memref<6x6xf32, #tpu.memory_space<vmem>>, %arg24: memref<6x6xf32, #tpu.memory_space<vmem>>, %arg25: memref<1x6xf32, #tpu.memory_space<vmem>>, %arg26: memref<64x6xf32, #tpu.memory_space<vmem>>, %arg27: memref<64x1xf32, #tpu.memory_space<vmem>>, %arg28: memref<896x896xf32, #tpu.memory_space<vmem>>, %arg29: memref<896x896xf32, #tpu.memory_space<vmem>>, %arg30: memref<3x64x64xf32, #tpu.memory_space<vmem>>, %arg31: memref<1x64xf32, #tpu.memory_space<vmem>>, %arg32: memref<3x64x64xf32, #tpu.memory_space<vmem>>, %arg33: memref<1x64xf32, #tpu.memory_space<vmem>>, %arg34: memref<64x64xf32, #tpu.memory_space<vmem>>, %arg35: memref<1x64xf32, #tpu.memory_space<vmem>>, %arg36: memref<1x64xf32, #tpu.memory_space<vmem>>, %arg37: memref<1x64xf32, #tpu.memory_space<vmem>>, %arg38: memref<384x12xf32, #tpu.memory_space<vmem>>, %arg39: memref<1x12xf32, #tpu.memory_space<vmem>>, %arg40: memref<2x896x12xf32, #tpu.memory_space<vmem>>) attributes {dimension_semantics = [], scalar_prefetch = 0 : i64, scratch_operands = 0 : i64, tpu.core_type = #tpu.core_type<tc>} {
    %iota3A = tpu.iota {dimensions = array<i32: 0>} : vector<896x1xi32>
    %lt3A = arith.constant 883 : i32
    %lt3A_0 = vector.broadcast %lt3A : i32 to vector<896x1xi32>
    %lt3A_1 = arith.cmpi slt, %iota3A, %lt3A_0 : vector<896x1xi32>
    %iota3A_2 = tpu.iota {dimensions = array<i32: 0>} : vector<896x896xi32>
    %iota3A_3 = tpu.iota {dimensions = array<i32: 1>} : vector<896x896xi32>
    %eq3A = arith.cmpi eq, %iota3A_2, %iota3A_3 : vector<896x896xi32>
    %get3A = arith.constant 0 : index
    %get3A_4 = arith.constant 0 : index
    %get3A_5 = vector.load %arg0[%get3A, %get3A_4] : memref<896x896xf32, #tpu.memory_space<vmem>>, vector<896x896xf32>
    %reduce_sum3A = arith.constant dense<0.000000e+00> : vector<896xf32>
    %reduce_sum3A_6 = vector.multi_reduction <add>, %get3A_5, %reduce_sum3A [1] : vector<896x896xf32> to vector<896xf32>
    %broadcast_in_dim3A = vector.shape_cast %reduce_sum3A_6 : vector<896xf32> to vector<896x1xf32>
    %gt3A = arith.constant 0.000000e+00 : f32
    %gt3A_7 = vector.broadcast %gt3A : f32 to vector<896x1xf32>
    %gt3A_8 = arith.cmpf ogt, %broadcast_in_dim3A, %gt3A_7 : vector<896x1xf32>
    %max3A = arith.constant 1.000000e-30 : f32
    %max3A_9 = vector.broadcast %max3A : f32 to vector<896x1xf32>
    %max3A_10 = arith.maximumf %broadcast_in_dim3A, %max3A_9 : vector<896x1xf32>
    %rsqrt3A = math.rsqrt %max3A_10 : vector<896x1xf32>
    %jit3A = arith.constant 0.000000e+00 : f32
    %broadcast_in_dim3A_11 = vector.broadcast %jit3A : f32 to vector<896x1xf32>
    %select_n3A = arith.select %gt3A_8, %rsqrt3A, %broadcast_in_dim3A_11 : vector<896x1xi1>, vector<896x1xf32>
    %dot_general3A = arith.constant dense<0.000000e+00> : vector<896x896xf32>
    %dot_general3A_12 = tpu.matmul %select_n3A, %select_n3A, %dot_general3A {dimension_numbers = #tpu.dot_dimension_numbers<[1], [1], [0], [0], [0, 0, 1, 0], [], []>, transpose_lhs_hint = false} : vector<896x1xf32>, vector<896x1xf32>, vector<896x896xf32> -> vector<896x896xf32>
    %mul3A = arith.mulf %dot_general3A_12, %get3A_5 : vector<896x896xf32>
    %neg3A = arith.constant 0.000000e+00 : f32
    %neg3A_13 = vector.broadcast %neg3A : f32 to vector<896x896xf32>
    %neg3A_14 = arith.subf %neg3A_13, %mul3A : vector<896x896xf32>
    %iota3A_15 = tpu.iota {dimensions = array<i32: 0>} : vector<384x384xi32>
    %jit3A_16 = arith.constant 64 : i32
    %div3A = vector.broadcast %jit3A_16 : i32 to vector<384x384xi32>
    %div3A_17 = arith.divsi %iota3A_15, %div3A : vector<384x384xi32>
    %sign3A = arith.constant 0 : i32
    %sign3A_18 = vector.broadcast %sign3A : i32 to vector<384x384xi32>
    %sign3A_19 = arith.cmpi sgt, %iota3A_15, %sign3A_18 : vector<384x384xi32>
    %sign3A_20 = arith.extui %sign3A_19 : vector<384x384xi1> to vector<384x384xi32>
    %sign3A_21 = arith.constant 0 : i32
    %sign3A_22 = vector.broadcast %sign3A_21 : i32 to vector<384x384xi32>
    %sign3A_23 = arith.cmpi slt, %iota3A_15, %sign3A_22 : vector<384x384xi32>
    %sign3A_24 = arith.extui %sign3A_23 : vector<384x384xi1> to vector<384x384xi32>
    %sign3A_25 = arith.subi %sign3A_20, %sign3A_24 : vector<384x384xi32>
    %sign3A_26 = arith.constant 0 : i32
    %sign3A_27 = arith.cmpi sgt, %jit3A_16, %sign3A_26 : i32
    %sign3A_28 = arith.extui %sign3A_27 : i1 to i32
    %sign3A_29 = arith.constant 0 : i32
    %sign3A_30 = arith.cmpi slt, %jit3A_16, %sign3A_29 : i32
    %sign3A_31 = arith.extui %sign3A_30 : i1 to i32
    %sign3A_32 = arith.subi %sign3A_28, %sign3A_31 : i32
    %ne3A = vector.broadcast %sign3A_32 : i32 to vector<384x384xi32>
    %ne3A_33 = arith.cmpi ne, %sign3A_25, %ne3A : vector<384x384xi32>
    %rem3A = vector.broadcast %jit3A_16 : i32 to vector<384x384xi32>
    %rem3A_34 = arith.remsi %iota3A_15, %rem3A : vector<384x384xi32>
    %ne3A_35 = arith.constant 0 : i32
    %ne3A_36 = vector.broadcast %ne3A_35 : i32 to vector<384x384xi32>
    %ne3A_37 = arith.cmpi ne, %rem3A_34, %ne3A_36 : vector<384x384xi32>
    %and3A = arith.andi %ne3A_33, %ne3A_37 : vector<384x384xi1>
    %sub3A = arith.constant 1 : i32
    %sub3A_38 = vector.broadcast %sub3A : i32 to vector<384x384xi32>
    %sub3A_39 = arith.subi %div3A_17, %sub3A_38 : vector<384x384xi32>
    %select_n3A_40 = arith.select %and3A, %sub3A_39, %div3A_17 : vector<384x384xi1>, vector<384x384xi32>
    %iota3A_41 = tpu.iota {dimensions = array<i32: 1>} : vector<384x384xi32>
    %jit3A_42 = arith.constant 64 : i32
    %div3A_43 = vector.broadcast %jit3A_42 : i32 to vector<384x384xi32>
    %div3A_44 = arith.divsi %iota3A_41, %div3A_43 : vector<384x384xi32>
    %sign3A_45 = arith.constant 0 : i32
    %sign3A_46 = vector.broadcast %sign3A_45 : i32 to vector<384x384xi32>
    %sign3A_47 = arith.cmpi sgt, %iota3A_41, %sign3A_46 : vector<384x384xi32>
    %sign3A_48 = arith.extui %sign3A_47 : vector<384x384xi1> to vector<384x384xi32>
    %sign3A_49 = arith.constant 0 : i32
    %sign3A_50 = vector.broadcast %sign3A_49 : i32 to vector<384x384xi32>
    %sign3A_51 = arith.cmpi slt, %iota3A_41, %sign3A_50 : vector<384x384xi32>
    %sign3A_52 = arith.extui %sign3A_51 : vector<384x384xi1> to vector<384x384xi32>
    %sign3A_53 = arith.subi %sign3A_48, %sign3A_52 : vector<384x384xi32>
    %sign3A_54 = arith.constant 0 : i32
    %sign3A_55 = arith.cmpi sgt, %jit3A_42, %sign3A_54 : i32
    %sign3A_56 = arith.extui %sign3A_55 : i1 to i32
    %sign3A_57 = arith.constant 0 : i32
    %sign3A_58 = arith.cmpi slt, %jit3A_42, %sign3A_57 : i32
    %sign3A_59 = arith.extui %sign3A_58 : i1 to i32
    %sign3A_60 = arith.subi %sign3A_56, %sign3A_59 : i32
    %ne3A_61 = vector.broadcast %sign3A_60 : i32 to vector<384x384xi32>
    %ne3A_62 = arith.cmpi ne, %sign3A_53, %ne3A_61 : vector<384x384xi32>
    %rem3A_63 = vector.broadcast %jit3A_42 : i32 to vector<384x384xi32>
    %rem3A_64 = arith.remsi %iota3A_41, %rem3A_63 : vector<384x384xi32>
    %ne3A_65 = arith.constant 0 : i32
    %ne3A_66 = vector.broadcast %ne3A_65 : i32 to vector<384x384xi32>
    %ne3A_67 = arith.cmpi ne, %rem3A_64, %ne3A_66 : vector<384x384xi32>
    %and3A_68 = arith.andi %ne3A_62, %ne3A_67 : vector<384x384xi1>
    %sub3A_69 = arith.constant 1 : i32
    %sub3A_70 = vector.broadcast %sub3A_69 : i32 to vector<384x384xi32>
    %sub3A_71 = arith.subi %div3A_44, %sub3A_70 : vector<384x384xi32>
    %select_n3A_72 = arith.select %and3A_68, %sub3A_71, %div3A_44 : vector<384x384xi1>, vector<384x384xi32>
    %broadcast_in_dim3A_73 = arith.constant 0.000000e+00 : f32
    %broadcast_in_dim3A_74 = vector.broadcast %broadcast_in_dim3A_73 : f32 to vector<384x384xf32>
    %eq3A_75 = arith.cmpi eq, %select_n3A_40, %select_n3A_72 : vector<384x384xi32>
    %jit3A_76 = arith.constant 1.562500e-02 : f32
    %jit3A_77 = arith.constant 0.000000e+00 : f32
    %broadcast_in_dim3A_78 = vector.broadcast %jit3A_76 : f32 to vector<384x384xf32>
    %broadcast_in_dim3A_79 = vector.broadcast %jit3A_77 : f32 to vector<384x384xf32>
    %select_n3A_80 = arith.select %eq3A_75, %broadcast_in_dim3A_78, %broadcast_in_dim3A_79 : vector<384x384xi1>, vector<384x384xf32>
    %eq3A_81 = arith.cmpi eq, %select_n3A_40, %select_n3A_72 : vector<384x384xi32>
    %get3A_82 = arith.constant 0 : index
    %get3A_83 = arith.constant 0 : index
    %get3A_84 = arith.constant 0 : index
    %get3A_85 = vector.load %arg30[%get3A_82, %get3A_83, %get3A_84] : memref<3x64x64xf32, #tpu.memory_space<vmem>>, vector<1x64x64xf32>
    %get3A_86 = vector.shape_cast %get3A_85 : vector<1x64x64xf32> to vector<64x64xf32>
    %concatenate3A = tpu.concatenate %get3A_86, %get3A_86, %get3A_86, %get3A_86, %get3A_86, %get3A_86 in 1 : vector<64x64xf32>, vector<64x64xf32>, vector<64x64xf32>, vector<64x64xf32>, vector<64x64xf32>, vector<64x64xf32> -> vector<64x384xf32>
    %concatenate3A_87 = tpu.concatenate %concatenate3A, %concatenate3A, %concatenate3A, %concatenate3A, %concatenate3A, %concatenate3A in 0 : vector<64x384xf32>, vector<64x384xf32>, vector<64x384xf32>, vector<64x384xf32>, vector<64x384xf32>, vector<64x384xf32> -> vector<384x384xf32>
    %select_n3A_88 = arith.select %eq3A_81, %concatenate3A_87, %broadcast_in_dim3A_74 : vector<384x384xi1>, vector<384x384xf32>
    %eq3A_89 = arith.cmpi eq, %select_n3A_40, %select_n3A_72 : vector<384x384xi32>
    %get3A_90 = arith.constant 1 : index
    %get3A_91 = arith.constant 0 : index
    %get3A_92 = arith.constant 0 : index
    %get3A_93 = vector.load %arg30[%get3A_90, %get3A_91, %get3A_92] : memref<3x64x64xf32, #tpu.memory_space<vmem>>, vector<1x64x64xf32>
    %get3A_94 = vector.shape_cast %get3A_93 : vector<1x64x64xf32> to vector<64x64xf32>
    %concatenate3A_95 = tpu.concatenate %get3A_94, %get3A_94, %get3A_94, %get3A_94, %get3A_94, %get3A_94 in 1 : vector<64x64xf32>, vector<64x64xf32>, vector<64x64xf32>, vector<64x64xf32>, vector<64x64xf32>, vector<64x64xf32> -> vector<64x384xf32>
    %concatenate3A_96 = tpu.concatenate %concatenate3A_95, %concatenate3A_95, %concatenate3A_95, %concatenate3A_95, %concatenate3A_95, %concatenate3A_95 in 0 : vector<64x384xf32>, vector<64x384xf32>, vector<64x384xf32>, vector<64x384xf32>, vector<64x384xf32>, vector<64x384xf32> -> vector<384x384xf32>
    %select_n3A_97 = arith.select %eq3A_89, %concatenate3A_96, %broadcast_in_dim3A_74 : vector<384x384xi1>, vector<384x384xf32>
    %eq3A_98 = arith.cmpi eq, %select_n3A_40, %select_n3A_72 : vector<384x384xi32>
    %get3A_99 = arith.constant 2 : index
    %get3A_100 = arith.constant 0 : index
    %get3A_101 = arith.constant 0 : index
    %get3A_102 = vector.load %arg30[%get3A_99, %get3A_100, %get3A_101] : memref<3x64x64xf32, #tpu.memory_space<vmem>>, vector<1x64x64xf32>
    %get3A_103 = vector.shape_cast %get3A_102 : vector<1x64x64xf32> to vector<64x64xf32>
    %concatenate3A_104 = tpu.concatenate %get3A_103, %get3A_103, %get3A_103, %get3A_103, %get3A_103, %get3A_103 in 1 : vector<64x64xf32>, vector<64x64xf32>, vector<64x64xf32>, vector<64x64xf32>, vector<64x64xf32>, vector<64x64xf32> -> vector<64x384xf32>
    %concatenate3A_105 = tpu.concatenate %concatenate3A_104, %concatenate3A_104, %concatenate3A_104, %concatenate3A_104, %concatenate3A_104, %concatenate3A_104 in 0 : vector<64x384xf32>, vector<64x384xf32>, vector<64x384xf32>, vector<64x384xf32>, vector<64x384xf32>, vector<64x384xf32> -> vector<384x384xf32>
    %select_n3A_106 = arith.select %eq3A_98, %concatenate3A_105, %broadcast_in_dim3A_74 : vector<384x384xi1>, vector<384x384xf32>
    %sub3A_107 = arith.subi %select_n3A_40, %select_n3A_72 : vector<384x384xi32>
    %eq3A_108 = arith.constant -1 : i32
    %eq3A_109 = vector.broadcast %eq3A_108 : i32 to vector<384x384xi32>
    %eq3A_110 = arith.cmpi eq, %sub3A_107, %eq3A_109 : vector<384x384xi32>
    %get3A_111 = arith.constant 0 : index
    %get3A_112 = arith.constant 0 : index
    %get3A_113 = arith.constant 0 : index
    %get3A_114 = vector.load %arg32[%get3A_111, %get3A_112, %get3A_113] : memref<3x64x64xf32, #tpu.memory_space<vmem>>, vector<1x64x64xf32>
    %get3A_115 = vector.shape_cast %get3A_114 : vector<1x64x64xf32> to vector<64x64xf32>
    %concatenate3A_116 = tpu.concatenate %get3A_115, %get3A_115, %get3A_115, %get3A_115, %get3A_115, %get3A_115 in 1 : vector<64x64xf32>, vector<64x64xf32>, vector<64x64xf32>, vector<64x64xf32>, vector<64x64xf32>, vector<64x64xf32> -> vector<64x384xf32>
    %concatenate3A_117 = tpu.concatenate %concatenate3A_116, %concatenate3A_116, %concatenate3A_116, %concatenate3A_116, %concatenate3A_116, %concatenate3A_116 in 0 : vector<64x384xf32>, vector<64x384xf32>, vector<64x384xf32>, vector<64x384xf32>, vector<64x384xf32>, vector<64x384xf32> -> vector<384x384xf32>
    %select_n3A_118 = arith.select %eq3A_110, %concatenate3A_117, %broadcast_in_dim3A_74 : vector<384x384xi1>, vector<384x384xf32>
    %add3A = arith.constant 0.000000e+00 : f32
    %add3A_119 = vector.broadcast %add3A : f32 to vector<384x384xf32>
    %add3A_120 = arith.addf %add3A_119, %select_n3A_118 : vector<384x384xf32>
    %sub3A_121 = arith.subi %select_n3A_40, %select_n3A_72 : vector<384x384xi32>
    %eq3A_122 = arith.constant 0 : i32
    %eq3A_123 = vector.broadcast %eq3A_122 : i32 to vector<384x384xi32>
    %eq3A_124 = arith.cmpi eq, %sub3A_121, %eq3A_123 : vector<384x384xi32>
    %get3A_125 = arith.constant 1 : index
    %get3A_126 = arith.constant 0 : index
    %get3A_127 = arith.constant 0 : index
    %get3A_128 = vector.load %arg32[%get3A_125, %get3A_126, %get3A_127] : memref<3x64x64xf32, #tpu.memory_space<vmem>>, vector<1x64x64xf32>
    %get3A_129 = vector.shape_cast %get3A_128 : vector<1x64x64xf32> to vector<64x64xf32>
    %concatenate3A_130 = tpu.concatenate %get3A_129, %get3A_129, %get3A_129, %get3A_129, %get3A_129, %get3A_129 in 1 : vector<64x64xf32>, vector<64x64xf32>, vector<64x64xf32>, vector<64x64xf32>, vector<64x64xf32>, vector<64x64xf32> -> vector<64x384xf32>
    %concatenate3A_131 = tpu.concatenate %concatenate3A_130, %concatenate3A_130, %concatenate3A_130, %concatenate3A_130, %concatenate3A_130, %concatenate3A_130 in 0 : vector<64x384xf32>, vector<64x384xf32>, vector<64x384xf32>, vector<64x384xf32>, vector<64x384xf32>, vector<64x384xf32> -> vector<384x384xf32>
    %select_n3A_132 = arith.select %eq3A_124, %concatenate3A_131, %broadcast_in_dim3A_74 : vector<384x384xi1>, vector<384x384xf32>
    %add3A_133 = arith.addf %add3A_120, %select_n3A_132 : vector<384x384xf32>
    %sub3A_134 = arith.subi %select_n3A_40, %select_n3A_72 : vector<384x384xi32>
    %eq3A_135 = arith.constant 1 : i32
    %eq3A_136 = vector.broadcast %eq3A_135 : i32 to vector<384x384xi32>
    %eq3A_137 = arith.cmpi eq, %sub3A_134, %eq3A_136 : vector<384x384xi32>
    %get3A_138 = arith.constant 2 : index
    %get3A_139 = arith.constant 0 : index
    %get3A_140 = arith.constant 0 : index
    %get3A_141 = vector.load %arg32[%get3A_138, %get3A_139, %get3A_140] : memref<3x64x64xf32, #tpu.memory_space<vmem>>, vector<1x64x64xf32>
    %get3A_142 = vector.shape_cast %get3A_141 : vector<1x64x64xf32> to vector<64x64xf32>
    %concatenate3A_143 = tpu.concatenate %get3A_142, %get3A_142, %get3A_142, %get3A_142, %get3A_142, %get3A_142 in 1 : vector<64x64xf32>, vector<64x64xf32>, vector<64x64xf32>, vector<64x64xf32>, vector<64x64xf32>, vector<64x64xf32> -> vector<64x384xf32>
    %concatenate3A_144 = tpu.concatenate %concatenate3A_143, %concatenate3A_143, %concatenate3A_143, %concatenate3A_143, %concatenate3A_143, %concatenate3A_143 in 0 : vector<64x384xf32>, vector<64x384xf32>, vector<64x384xf32>, vector<64x384xf32>, vector<64x384xf32>, vector<64x384xf32> -> vector<384x384xf32>
    %select_n3A_145 = arith.select %eq3A_137, %concatenate3A_144, %broadcast_in_dim3A_74 : vector<384x384xi1>, vector<384x384xf32>
    %add3A_146 = arith.addf %add3A_133, %select_n3A_145 : vector<384x384xf32>
    %eq3A_147 = arith.cmpi eq, %select_n3A_40, %select_n3A_72 : vector<384x384xi32>
    %get3A_148 = arith.constant 0 : index
    %get3A_149 = arith.constant 0 : index
    %get3A_150 = vector.load %arg34[%get3A_148, %get3A_149] : memref<64x64xf32, #tpu.memory_space<vmem>>, vector<64x64xf32>
    %concatenate3A_151 = tpu.concatenate %get3A_150, %get3A_150, %get3A_150, %get3A_150, %get3A_150, %get3A_150 in 1 : vector<64x64xf32>, vector<64x64xf32>, vector<64x64xf32>, vector<64x64xf32>, vector<64x64xf32>, vector<64x64xf32> -> vector<64x384xf32>
    %concatenate3A_152 = tpu.concatenate %concatenate3A_151, %concatenate3A_151, %concatenate3A_151, %concatenate3A_151, %concatenate3A_151, %concatenate3A_151 in 0 : vector<64x384xf32>, vector<64x384xf32>, vector<64x384xf32>, vector<64x384xf32>, vector<64x384xf32>, vector<64x384xf32> -> vector<384x384xf32>
    %select_n3A_153 = arith.select %eq3A_147, %concatenate3A_152, %broadcast_in_dim3A_74 : vector<384x384xi1>, vector<384x384xf32>
    %iota3A_154 = tpu.iota {dimensions = array<i32: 0>} : vector<12x768xi32>
    %iota3A_155 = tpu.iota {dimensions = array<i32: 1>} : vector<12x768xi32>
    %jit3A_156 = arith.constant 64 : i32
    %div3A_157 = vector.broadcast %jit3A_156 : i32 to vector<12x768xi32>
    %div3A_158 = arith.divsi %iota3A_155, %div3A_157 : vector<12x768xi32>
    %sign3A_159 = arith.constant 0 : i32
    %sign3A_160 = vector.broadcast %sign3A_159 : i32 to vector<12x768xi32>
    %sign3A_161 = arith.cmpi sgt, %iota3A_155, %sign3A_160 : vector<12x768xi32>
    %sign3A_162 = arith.extui %sign3A_161 : vector<12x768xi1> to vector<12x768xi32>
    %sign3A_163 = arith.constant 0 : i32
    %sign3A_164 = vector.broadcast %sign3A_163 : i32 to vector<12x768xi32>
    %sign3A_165 = arith.cmpi slt, %iota3A_155, %sign3A_164 : vector<12x768xi32>
    %sign3A_166 = arith.extui %sign3A_165 : vector<12x768xi1> to vector<12x768xi32>
    %sign3A_167 = arith.subi %sign3A_162, %sign3A_166 : vector<12x768xi32>
    %sign3A_168 = arith.constant 0 : i32
    %sign3A_169 = arith.cmpi sgt, %jit3A_156, %sign3A_168 : i32
    %sign3A_170 = arith.extui %sign3A_169 : i1 to i32
    %sign3A_171 = arith.constant 0 : i32
    %sign3A_172 = arith.cmpi slt, %jit3A_156, %sign3A_171 : i32
    %sign3A_173 = arith.extui %sign3A_172 : i1 to i32
    %sign3A_174 = arith.subi %sign3A_170, %sign3A_173 : i32
    %ne3A_175 = vector.broadcast %sign3A_174 : i32 to vector<12x768xi32>
    %ne3A_176 = arith.cmpi ne, %sign3A_167, %ne3A_175 : vector<12x768xi32>
    %rem3A_177 = vector.broadcast %jit3A_156 : i32 to vector<12x768xi32>
    %rem3A_178 = arith.remsi %iota3A_155, %rem3A_177 : vector<12x768xi32>
    %ne3A_179 = arith.constant 0 : i32
    %ne3A_180 = vector.broadcast %ne3A_179 : i32 to vector<12x768xi32>
    %ne3A_181 = arith.cmpi ne, %rem3A_178, %ne3A_180 : vector<12x768xi32>
    %and3A_182 = arith.andi %ne3A_176, %ne3A_181 : vector<12x768xi1>
    %sub3A_183 = arith.constant 1 : i32
    %sub3A_184 = vector.broadcast %sub3A_183 : i32 to vector<12x768xi32>
    %sub3A_185 = arith.subi %div3A_158, %sub3A_184 : vector<12x768xi32>
    %select_n3A_186 = arith.select %and3A_182, %sub3A_185, %div3A_158 : vector<12x768xi1>, vector<12x768xi32>
    %eq3A_187 = arith.cmpi eq, %iota3A_154, %select_n3A_186 : vector<12x768xi32>
    %get3A_188 = arith.constant 0 : index
    %get3A_189 = arith.constant 0 : index
    %get3A_190 = vector.load %arg12[%get3A_188, %get3A_189] : memref<3x64xf32, #tpu.memory_space<vmem>>, vector<1x64xf32>
    %concatenate3A_191 = tpu.concatenate %get3A_190, %get3A_190, %get3A_190, %get3A_190, %get3A_190, %get3A_190, %get3A_190, %get3A_190, %get3A_190, %get3A_190, %get3A_190, %get3A_190 in 1 : vector<1x64xf32>, vector<1x64xf32>, vector<1x64xf32>, vector<1x64xf32>, vector<1x64xf32>, vector<1x64xf32>, vector<1x64xf32>, vector<1x64xf32>, vector<1x64xf32>, vector<1x64xf32>, vector<1x64xf32>, vector<1x64xf32> -> vector<1x768xf32>
    %jit3A_192 = arith.constant 0.000000e+00 : f32
    %broadcast_in_dim3A_193 = vector.shape_cast %concatenate3A_191 : vector<1x768xf32> to vector<1x768xf32>
    %broadcast_in_dim3A_194 = vector.broadcast %broadcast_in_dim3A_193 : vector<1x768xf32> to vector<12x768xf32>
    %broadcast_in_dim3A_195 = vector.broadcast %jit3A_192 : f32 to vector<12x768xf32>
    %select_n3A_196 = arith.select %eq3A_187, %broadcast_in_dim3A_194, %broadcast_in_dim3A_195 : vector<12x768xi1>, vector<12x768xf32>
    %eq3A_197 = arith.cmpi eq, %iota3A_154, %select_n3A_186 : vector<12x768xi32>
    %get3A_198 = arith.constant 1 : index
    %get3A_199 = arith.constant 0 : index
    %get3A_200 = vector.load %arg12[%get3A_198, %get3A_199] : memref<3x64xf32, #tpu.memory_space<vmem>>, vector<1x64xf32>
    %concatenate3A_201 = tpu.concatenate %get3A_200, %get3A_200, %get3A_200, %get3A_200, %get3A_200, %get3A_200, %get3A_200, %get3A_200, %get3A_200, %get3A_200, %get3A_200, %get3A_200 in 1 : vector<1x64xf32>, vector<1x64xf32>, vector<1x64xf32>, vector<1x64xf32>, vector<1x64xf32>, vector<1x64xf32>, vector<1x64xf32>, vector<1x64xf32>, vector<1x64xf32>, vector<1x64xf32>, vector<1x64xf32>, vector<1x64xf32> -> vector<1x768xf32>
    %jit3A_202 = arith.constant 0.000000e+00 : f32
    %broadcast_in_dim3A_203 = vector.shape_cast %concatenate3A_201 : vector<1x768xf32> to vector<1x768xf32>
    %broadcast_in_dim3A_204 = vector.broadcast %broadcast_in_dim3A_203 : vector<1x768xf32> to vector<12x768xf32>
    %broadcast_in_dim3A_205 = vector.broadcast %jit3A_202 : f32 to vector<12x768xf32>
    %select_n3A_206 = arith.select %eq3A_197, %broadcast_in_dim3A_204, %broadcast_in_dim3A_205 : vector<12x768xi1>, vector<12x768xf32>
    %eq3A_207 = arith.cmpi eq, %iota3A_154, %select_n3A_186 : vector<12x768xi32>
    %get3A_208 = arith.constant 2 : index
    %get3A_209 = arith.constant 0 : index
    %get3A_210 = vector.load %arg12[%get3A_208, %get3A_209] : memref<3x64xf32, #tpu.memory_space<vmem>>, vector<1x64xf32>
    %concatenate3A_211 = tpu.concatenate %get3A_210, %get3A_210, %get3A_210, %get3A_210, %get3A_210, %get3A_210, %get3A_210, %get3A_210, %get3A_210, %get3A_210, %get3A_210, %get3A_210 in 1 : vector<1x64xf32>, vector<1x64xf32>, vector<1x64xf32>, vector<1x64xf32>, vector<1x64xf32>, vector<1x64xf32>, vector<1x64xf32>, vector<1x64xf32>, vector<1x64xf32>, vector<1x64xf32>, vector<1x64xf32>, vector<1x64xf32> -> vector<1x768xf32>
    %jit3A_212 = arith.constant 0.000000e+00 : f32
    %broadcast_in_dim3A_213 = vector.shape_cast %concatenate3A_211 : vector<1x768xf32> to vector<1x768xf32>
    %broadcast_in_dim3A_214 = vector.broadcast %broadcast_in_dim3A_213 : vector<1x768xf32> to vector<12x768xf32>
    %broadcast_in_dim3A_215 = vector.broadcast %jit3A_212 : f32 to vector<12x768xf32>
    %select_n3A_216 = arith.select %eq3A_207, %broadcast_in_dim3A_214, %broadcast_in_dim3A_215 : vector<12x768xi1>, vector<12x768xf32>
    %concatenate3A_217 = tpu.concatenate %select_n3A_196, %select_n3A_206, %select_n3A_216 in 0 : vector<12x768xf32>, vector<12x768xf32>, vector<12x768xf32> -> vector<36x768xf32>
    %iota3A_218 = tpu.iota {dimensions = array<i32: 0>} : vector<768x384xi32>
    %jit3A_219 = arith.constant 64 : i32
    %div3A_220 = vector.broadcast %jit3A_219 : i32 to vector<768x384xi32>
    %div3A_221 = arith.divsi %iota3A_218, %div3A_220 : vector<768x384xi32>
    %sign3A_222 = arith.constant 0 : i32
    %sign3A_223 = vector.broadcast %sign3A_222 : i32 to vector<768x384xi32>
    %sign3A_224 = arith.cmpi sgt, %iota3A_218, %sign3A_223 : vector<768x384xi32>
    %sign3A_225 = arith.extui %sign3A_224 : vector<768x384xi1> to vector<768x384xi32>
    %sign3A_226 = arith.constant 0 : i32
    %sign3A_227 = vector.broadcast %sign3A_226 : i32 to vector<768x384xi32>
    %sign3A_228 = arith.cmpi slt, %iota3A_218, %sign3A_227 : vector<768x384xi32>
    %sign3A_229 = arith.extui %sign3A_228 : vector<768x384xi1> to vector<768x384xi32>
    %sign3A_230 = arith.subi %sign3A_225, %sign3A_229 : vector<768x384xi32>
    %sign3A_231 = arith.constant 0 : i32
    %sign3A_232 = arith.cmpi sgt, %jit3A_219, %sign3A_231 : i32
    %sign3A_233 = arith.extui %sign3A_232 : i1 to i32
    %sign3A_234 = arith.constant 0 : i32
    %sign3A_235 = arith.cmpi slt, %jit3A_219, %sign3A_234 : i32
    %sign3A_236 = arith.extui %sign3A_235 : i1 to i32
    %sign3A_237 = arith.subi %sign3A_233, %sign3A_236 : i32
    %ne3A_238 = vector.broadcast %sign3A_237 : i32 to vector<768x384xi32>
    %ne3A_239 = arith.cmpi ne, %sign3A_230, %ne3A_238 : vector<768x384xi32>
    %rem3A_240 = vector.broadcast %jit3A_219 : i32 to vector<768x384xi32>
    %rem3A_241 = arith.remsi %iota3A_218, %rem3A_240 : vector<768x384xi32>
    %ne3A_242 = arith.constant 0 : i32
    %ne3A_243 = vector.broadcast %ne3A_242 : i32 to vector<768x384xi32>
    %ne3A_244 = arith.cmpi ne, %rem3A_241, %ne3A_243 : vector<768x384xi32>
    %and3A_245 = arith.andi %ne3A_239, %ne3A_244 : vector<768x384xi1>
    %sub3A_246 = arith.constant 1 : i32
    %sub3A_247 = vector.broadcast %sub3A_246 : i32 to vector<768x384xi32>
    %sub3A_248 = arith.subi %div3A_221, %sub3A_247 : vector<768x384xi32>
    %select_n3A_249 = arith.select %and3A_245, %sub3A_248, %div3A_221 : vector<768x384xi1>, vector<768x384xi32>
    %iota3A_250 = tpu.iota {dimensions = array<i32: 1>} : vector<768x384xi32>
    %jit3A_251 = arith.constant 64 : i32
    %div3A_252 = vector.broadcast %jit3A_251 : i32 to vector<768x384xi32>
    %div3A_253 = arith.divsi %iota3A_250, %div3A_252 : vector<768x384xi32>
    %sign3A_254 = arith.constant 0 : i32
    %sign3A_255 = vector.broadcast %sign3A_254 : i32 to vector<768x384xi32>
    %sign3A_256 = arith.cmpi sgt, %iota3A_250, %sign3A_255 : vector<768x384xi32>
    %sign3A_257 = arith.extui %sign3A_256 : vector<768x384xi1> to vector<768x384xi32>
    %sign3A_258 = arith.constant 0 : i32
    %sign3A_259 = vector.broadcast %sign3A_258 : i32 to vector<768x384xi32>
    %sign3A_260 = arith.cmpi slt, %iota3A_250, %sign3A_259 : vector<768x384xi32>
    %sign3A_261 = arith.extui %sign3A_260 : vector<768x384xi1> to vector<768x384xi32>
    %sign3A_262 = arith.subi %sign3A_257, %sign3A_261 : vector<768x384xi32>
    %sign3A_263 = arith.constant 0 : i32
    %sign3A_264 = arith.cmpi sgt, %jit3A_251, %sign3A_263 : i32
    %sign3A_265 = arith.extui %sign3A_264 : i1 to i32
    %sign3A_266 = arith.constant 0 : i32
    %sign3A_267 = arith.cmpi slt, %jit3A_251, %sign3A_266 : i32
    %sign3A_268 = arith.extui %sign3A_267 : i1 to i32
    %sign3A_269 = arith.subi %sign3A_265, %sign3A_268 : i32
    %ne3A_270 = vector.broadcast %sign3A_269 : i32 to vector<768x384xi32>
    %ne3A_271 = arith.cmpi ne, %sign3A_262, %ne3A_270 : vector<768x384xi32>
    %rem3A_272 = vector.broadcast %jit3A_251 : i32 to vector<768x384xi32>
    %rem3A_273 = arith.remsi %iota3A_250, %rem3A_272 : vector<768x384xi32>
    %ne3A_274 = arith.constant 0 : i32
    %ne3A_275 = vector.broadcast %ne3A_274 : i32 to vector<768x384xi32>
    %ne3A_276 = arith.cmpi ne, %rem3A_273, %ne3A_275 : vector<768x384xi32>
    %and3A_277 = arith.andi %ne3A_271, %ne3A_276 : vector<768x384xi1>
    %sub3A_278 = arith.constant 1 : i32
    %sub3A_279 = vector.broadcast %sub3A_278 : i32 to vector<768x384xi32>
    %sub3A_280 = arith.subi %div3A_253, %sub3A_279 : vector<768x384xi32>
    %select_n3A_281 = arith.select %and3A_277, %sub3A_280, %div3A_253 : vector<768x384xi1>, vector<768x384xi32>
    %broadcast_in_dim3A_282 = arith.constant 0.000000e+00 : f32
    %broadcast_in_dim3A_283 = vector.broadcast %broadcast_in_dim3A_282 : f32 to vector<768x384xf32>
    %mul3A_284 = arith.constant 2 : i32
    %mul3A_285 = vector.broadcast %mul3A_284 : i32 to vector<768x384xi32>
    %mul3A_286 = arith.muli %mul3A_285, %select_n3A_281 : vector<768x384xi32>
    %sub3A_287 = arith.subi %select_n3A_249, %mul3A_286 : vector<768x384xi32>
    %eq3A_288 = arith.constant -1 : i32
    %eq3A_289 = vector.broadcast %eq3A_288 : i32 to vector<768x384xi32>
    %eq3A_290 = arith.cmpi eq, %sub3A_287, %eq3A_289 : vector<768x384xi32>
    %get3A_291 = arith.constant 0 : index
    %get3A_292 = arith.constant 0 : index
    %get3A_293 = arith.constant 0 : index
    %get3A_294 = vector.load %arg14[%get3A_291, %get3A_292, %get3A_293] : memref<3x64x64xf32, #tpu.memory_space<vmem>>, vector<1x64x64xf32>
    %get3A_295 = vector.shape_cast %get3A_294 : vector<1x64x64xf32> to vector<64x64xf32>
    %concatenate3A_296 = tpu.concatenate %get3A_295, %get3A_295, %get3A_295, %get3A_295, %get3A_295, %get3A_295 in 1 : vector<64x64xf32>, vector<64x64xf32>, vector<64x64xf32>, vector<64x64xf32>, vector<64x64xf32>, vector<64x64xf32> -> vector<64x384xf32>
    %concatenate3A_297 = tpu.concatenate %concatenate3A_296, %concatenate3A_296, %concatenate3A_296, %concatenate3A_296, %concatenate3A_296, %concatenate3A_296, %concatenate3A_296, %concatenate3A_296, %concatenate3A_296, %concatenate3A_296, %concatenate3A_296, %concatenate3A_296 in 0 : vector<64x384xf32>, vector<64x384xf32>, vector<64x384xf32>, vector<64x384xf32>, vector<64x384xf32>, vector<64x384xf32>, vector<64x384xf32>, vector<64x384xf32>, vector<64x384xf32>, vector<64x384xf32>, vector<64x384xf32>, vector<64x384xf32> -> vector<768x384xf32>
    %select_n3A_298 = arith.select %eq3A_290, %concatenate3A_297, %broadcast_in_dim3A_283 : vector<768x384xi1>, vector<768x384xf32>
    %add3A_299 = arith.constant 0.000000e+00 : f32
    %add3A_300 = vector.broadcast %add3A_299 : f32 to vector<768x384xf32>
    %add3A_301 = arith.addf %add3A_300, %select_n3A_298 : vector<768x384xf32>
    %mul3A_302 = arith.constant 2 : i32
    %mul3A_303 = vector.broadcast %mul3A_302 : i32 to vector<768x384xi32>
    %mul3A_304 = arith.muli %mul3A_303, %select_n3A_281 : vector<768x384xi32>
    %sub3A_305 = arith.subi %select_n3A_249, %mul3A_304 : vector<768x384xi32>
    %eq3A_306 = arith.constant 0 : i32
    %eq3A_307 = vector.broadcast %eq3A_306 : i32 to vector<768x384xi32>
    %eq3A_308 = arith.cmpi eq, %sub3A_305, %eq3A_307 : vector<768x384xi32>
    %get3A_309 = arith.constant 1 : index
    %get3A_310 = arith.constant 0 : index
    %get3A_311 = arith.constant 0 : index
    %get3A_312 = vector.load %arg14[%get3A_309, %get3A_310, %get3A_311] : memref<3x64x64xf32, #tpu.memory_space<vmem>>, vector<1x64x64xf32>
    %get3A_313 = vector.shape_cast %get3A_312 : vector<1x64x64xf32> to vector<64x64xf32>
    %concatenate3A_314 = tpu.concatenate %get3A_313, %get3A_313, %get3A_313, %get3A_313, %get3A_313, %get3A_313 in 1 : vector<64x64xf32>, vector<64x64xf32>, vector<64x64xf32>, vector<64x64xf32>, vector<64x64xf32>, vector<64x64xf32> -> vector<64x384xf32>
    %concatenate3A_315 = tpu.concatenate %concatenate3A_314, %concatenate3A_314, %concatenate3A_314, %concatenate3A_314, %concatenate3A_314, %concatenate3A_314, %concatenate3A_314, %concatenate3A_314, %concatenate3A_314, %concatenate3A_314, %concatenate3A_314, %concatenate3A_314 in 0 : vector<64x384xf32>, vector<64x384xf32>, vector<64x384xf32>, vector<64x384xf32>, vector<64x384xf32>, vector<64x384xf32>, vector<64x384xf32>, vector<64x384xf32>, vector<64x384xf32>, vector<64x384xf32>, vector<64x384xf32>, vector<64x384xf32> -> vector<768x384xf32>
    %select_n3A_316 = arith.select %eq3A_308, %concatenate3A_315, %broadcast_in_dim3A_283 : vector<768x384xi1>, vector<768x384xf32>
    %add3A_317 = arith.addf %add3A_301, %select_n3A_316 : vector<768x384xf32>
    %mul3A_318 = arith.constant 2 : i32
    %mul3A_319 = vector.broadcast %mul3A_318 : i32 to vector<768x384xi32>
    %mul3A_320 = arith.muli %mul3A_319, %select_n3A_281 : vector<768x384xi32>
    %sub3A_321 = arith.subi %select_n3A_249, %mul3A_320 : vector<768x384xi32>
    %eq3A_322 = arith.constant 1 : i32
    %eq3A_323 = vector.broadcast %eq3A_322 : i32 to vector<768x384xi32>
    %eq3A_324 = arith.cmpi eq, %sub3A_321, %eq3A_323 : vector<768x384xi32>
    %get3A_325 = arith.constant 2 : index
    %get3A_326 = arith.constant 0 : index
    %get3A_327 = arith.constant 0 : index
    %get3A_328 = vector.load %arg14[%get3A_325, %get3A_326, %get3A_327] : memref<3x64x64xf32, #tpu.memory_space<vmem>>, vector<1x64x64xf32>
    %get3A_329 = vector.shape_cast %get3A_328 : vector<1x64x64xf32> to vector<64x64xf32>
    %concatenate3A_330 = tpu.concatenate %get3A_329, %get3A_329, %get3A_329, %get3A_329, %get3A_329, %get3A_329 in 1 : vector<64x64xf32>, vector<64x64xf32>, vector<64x64xf32>, vector<64x64xf32>, vector<64x64xf32>, vector<64x64xf32> -> vector<64x384xf32>
    %concatenate3A_331 = tpu.concatenate %concatenate3A_330, %concatenate3A_330, %concatenate3A_330, %concatenate3A_330, %concatenate3A_330, %concatenate3A_330, %concatenate3A_330, %concatenate3A_330, %concatenate3A_330, %concatenate3A_330, %concatenate3A_330, %concatenate3A_330 in 0 : vector<64x384xf32>, vector<64x384xf32>, vector<64x384xf32>, vector<64x384xf32>, vector<64x384xf32>, vector<64x384xf32>, vector<64x384xf32>, vector<64x384xf32>, vector<64x384xf32>, vector<64x384xf32>, vector<64x384xf32>, vector<64x384xf32> -> vector<768x384xf32>
    %select_n3A_332 = arith.select %eq3A_324, %concatenate3A_331, %broadcast_in_dim3A_283 : vector<768x384xi1>, vector<768x384xf32>
    %add3A_333 = arith.addf %add3A_317, %select_n3A_332 : vector<768x384xf32>
    %iota3A_334 = tpu.iota {dimensions = array<i32: 0>} : vector<12x384xi32>
    %iota3A_335 = tpu.iota {dimensions = array<i32: 1>} : vector<12x384xi32>
    %jit3A_336 = arith.constant 64 : i32
    %div3A_337 = vector.broadcast %jit3A_336 : i32 to vector<12x384xi32>
    %div3A_338 = arith.divsi %iota3A_335, %div3A_337 : vector<12x384xi32>
    %sign3A_339 = arith.constant 0 : i32
    %sign3A_340 = vector.broadcast %sign3A_339 : i32 to vector<12x384xi32>
    %sign3A_341 = arith.cmpi sgt, %iota3A_335, %sign3A_340 : vector<12x384xi32>
    %sign3A_342 = arith.extui %sign3A_341 : vector<12x384xi1> to vector<12x384xi32>
    %sign3A_343 = arith.constant 0 : i32
    %sign3A_344 = vector.broadcast %sign3A_343 : i32 to vector<12x384xi32>
    %sign3A_345 = arith.cmpi slt, %iota3A_335, %sign3A_344 : vector<12x384xi32>
    %sign3A_346 = arith.extui %sign3A_345 : vector<12x384xi1> to vector<12x384xi32>
    %sign3A_347 = arith.subi %sign3A_342, %sign3A_346 : vector<12x384xi32>
    %sign3A_348 = arith.constant 0 : i32
    %sign3A_349 = arith.cmpi sgt, %jit3A_336, %sign3A_348 : i32
    %sign3A_350 = arith.extui %sign3A_349 : i1 to i32
    %sign3A_351 = arith.constant 0 : i32
    %sign3A_352 = arith.cmpi slt, %jit3A_336, %sign3A_351 : i32
    %sign3A_353 = arith.extui %sign3A_352 : i1 to i32
    %sign3A_354 = arith.subi %sign3A_350, %sign3A_353 : i32
    %ne3A_355 = vector.broadcast %sign3A_354 : i32 to vector<12x384xi32>
    %ne3A_356 = arith.cmpi ne, %sign3A_347, %ne3A_355 : vector<12x384xi32>
    %rem3A_357 = vector.broadcast %jit3A_336 : i32 to vector<12x384xi32>
    %rem3A_358 = arith.remsi %iota3A_335, %rem3A_357 : vector<12x384xi32>
    %ne3A_359 = arith.constant 0 : i32
    %ne3A_360 = vector.broadcast %ne3A_359 : i32 to vector<12x384xi32>
    %ne3A_361 = arith.cmpi ne, %rem3A_358, %ne3A_360 : vector<12x384xi32>
    %and3A_362 = arith.andi %ne3A_356, %ne3A_361 : vector<12x384xi1>
    %sub3A_363 = arith.constant 1 : i32
    %sub3A_364 = vector.broadcast %sub3A_363 : i32 to vector<12x384xi32>
    %sub3A_365 = arith.subi %div3A_338, %sub3A_364 : vector<12x384xi32>
    %select_n3A_366 = arith.select %and3A_362, %sub3A_365, %div3A_338 : vector<12x384xi1>, vector<12x384xi32>
    %mul3A_367 = arith.constant 2 : i32
    %mul3A_368 = vector.broadcast %mul3A_367 : i32 to vector<12x384xi32>
    %mul3A_369 = arith.muli %mul3A_368, %select_n3A_366 : vector<12x384xi32>
    %eq3A_370 = arith.cmpi eq, %iota3A_334, %mul3A_369 : vector<12x384xi32>
    %get3A_371 = arith.constant 0 : index
    %get3A_372 = arith.constant 0 : index
    %get3A_373 = vector.load %arg16[%get3A_371, %get3A_372] : memref<1x64xf32, #tpu.memory_space<vmem>>, vector<1x64xf32>
    %concatenate3A_374 = tpu.concatenate %get3A_373, %get3A_373, %get3A_373, %get3A_373, %get3A_373, %get3A_373 in 1 : vector<1x64xf32>, vector<1x64xf32>, vector<1x64xf32>, vector<1x64xf32>, vector<1x64xf32>, vector<1x64xf32> -> vector<1x384xf32>
    %jit3A_375 = arith.constant 0.000000e+00 : f32
    %broadcast_in_dim3A_376 = vector.shape_cast %concatenate3A_374 : vector<1x384xf32> to vector<1x384xf32>
    %broadcast_in_dim3A_377 = vector.broadcast %broadcast_in_dim3A_376 : vector<1x384xf32> to vector<12x384xf32>
    %broadcast_in_dim3A_378 = vector.broadcast %jit3A_375 : f32 to vector<12x384xf32>
    %select_n3A_379 = arith.select %eq3A_370, %broadcast_in_dim3A_377, %broadcast_in_dim3A_378 : vector<12x384xi1>, vector<12x384xf32>
    %iota3A_380 = tpu.iota {dimensions = array<i32: 0>} : vector<384x6xi32>
    %jit3A_381 = arith.constant 64 : i32
    %div3A_382 = vector.broadcast %jit3A_381 : i32 to vector<384x6xi32>
    %div3A_383 = arith.divsi %iota3A_380, %div3A_382 : vector<384x6xi32>
    %sign3A_384 = arith.constant 0 : i32
    %sign3A_385 = vector.broadcast %sign3A_384 : i32 to vector<384x6xi32>
    %sign3A_386 = arith.cmpi sgt, %iota3A_380, %sign3A_385 : vector<384x6xi32>
    %sign3A_387 = arith.extui %sign3A_386 : vector<384x6xi1> to vector<384x6xi32>
    %sign3A_388 = arith.constant 0 : i32
    %sign3A_389 = vector.broadcast %sign3A_388 : i32 to vector<384x6xi32>
    %sign3A_390 = arith.cmpi slt, %iota3A_380, %sign3A_389 : vector<384x6xi32>
    %sign3A_391 = arith.extui %sign3A_390 : vector<384x6xi1> to vector<384x6xi32>
    %sign3A_392 = arith.subi %sign3A_387, %sign3A_391 : vector<384x6xi32>
    %sign3A_393 = arith.constant 0 : i32
    %sign3A_394 = arith.cmpi sgt, %jit3A_381, %sign3A_393 : i32
    %sign3A_395 = arith.extui %sign3A_394 : i1 to i32
    %sign3A_396 = arith.constant 0 : i32
    %sign3A_397 = arith.cmpi slt, %jit3A_381, %sign3A_396 : i32
    %sign3A_398 = arith.extui %sign3A_397 : i1 to i32
    %sign3A_399 = arith.subi %sign3A_395, %sign3A_398 : i32
    %ne3A_400 = vector.broadcast %sign3A_399 : i32 to vector<384x6xi32>
    %ne3A_401 = arith.cmpi ne, %sign3A_392, %ne3A_400 : vector<384x6xi32>
    %rem3A_402 = vector.broadcast %jit3A_381 : i32 to vector<384x6xi32>
    %rem3A_403 = arith.remsi %iota3A_380, %rem3A_402 : vector<384x6xi32>
    %ne3A_404 = arith.constant 0 : i32
    %ne3A_405 = vector.broadcast %ne3A_404 : i32 to vector<384x6xi32>
    %ne3A_406 = arith.cmpi ne, %rem3A_403, %ne3A_405 : vector<384x6xi32>
    %and3A_407 = arith.andi %ne3A_401, %ne3A_406 : vector<384x6xi1>
    %sub3A_408 = arith.constant 1 : i32
    %sub3A_409 = vector.broadcast %sub3A_408 : i32 to vector<384x6xi32>
    %sub3A_410 = arith.subi %div3A_383, %sub3A_409 : vector<384x6xi32>
    %select_n3A_411 = arith.select %and3A_407, %sub3A_410, %div3A_383 : vector<384x6xi1>, vector<384x6xi32>
    %iota3A_412 = tpu.iota {dimensions = array<i32: 1>} : vector<384x6xi32>
    %eq3A_413 = arith.cmpi eq, %select_n3A_411, %iota3A_412 : vector<384x6xi32>
    %get3A_414 = arith.constant 0 : index
    %get3A_415 = arith.constant 0 : index
    %get3A_416 = vector.load %arg22[%get3A_414, %get3A_415] : memref<64x1xf32, #tpu.memory_space<vmem>>, vector<64x1xf32>
    %concatenate3A_417 = tpu.concatenate %get3A_416, %get3A_416, %get3A_416, %get3A_416, %get3A_416, %get3A_416 in 0 : vector<64x1xf32>, vector<64x1xf32>, vector<64x1xf32>, vector<64x1xf32>, vector<64x1xf32>, vector<64x1xf32> -> vector<384x1xf32>
    %jit3A_418 = arith.constant 0.000000e+00 : f32
    %broadcast_in_dim3A_419 = vector.shape_cast %concatenate3A_417 : vector<384x1xf32> to vector<384x1xf32>
    %broadcast_in_dim3A_420 = vector.broadcast %broadcast_in_dim3A_419 : vector<384x1xf32> to vector<384x6xf32>
    %broadcast_in_dim3A_421 = vector.broadcast %jit3A_418 : f32 to vector<384x6xf32>
    %select_n3A_422 = arith.select %eq3A_413, %broadcast_in_dim3A_420, %broadcast_in_dim3A_421 : vector<384x6xi1>, vector<384x6xf32>
    %eq3A_423 = arith.cmpi eq, %select_n3A_411, %iota3A_412 : vector<384x6xi32>
    %get3A_424 = arith.constant 0 : index
    %get3A_425 = arith.constant 0 : index
    %get3A_426 = vector.load %arg27[%get3A_424, %get3A_425] : memref<64x1xf32, #tpu.memory_space<vmem>>, vector<64x1xf32>
    %concatenate3A_427 = tpu.concatenate %get3A_426, %get3A_426, %get3A_426, %get3A_426, %get3A_426, %get3A_426 in 0 : vector<64x1xf32>, vector<64x1xf32>, vector<64x1xf32>, vector<64x1xf32>, vector<64x1xf32>, vector<64x1xf32> -> vector<384x1xf32>
    %jit3A_428 = arith.constant 0.000000e+00 : f32
    %broadcast_in_dim3A_429 = vector.shape_cast %concatenate3A_427 : vector<384x1xf32> to vector<384x1xf32>
    %broadcast_in_dim3A_430 = vector.broadcast %broadcast_in_dim3A_429 : vector<384x1xf32> to vector<384x6xf32>
    %broadcast_in_dim3A_431 = vector.broadcast %jit3A_428 : f32 to vector<384x6xf32>
    %select_n3A_432 = arith.select %eq3A_423, %broadcast_in_dim3A_430, %broadcast_in_dim3A_431 : vector<384x6xi1>, vector<384x6xf32>
    %get3A_433 = arith.constant 0 : index
    %get3A_434 = arith.constant 0 : index
    %get3A_435 = vector.load %arg26[%get3A_433, %get3A_434] : memref<64x6xf32, #tpu.memory_space<vmem>>, vector<64x6xf32>
    %concatenate3A_436 = tpu.concatenate %get3A_435, %get3A_435, %get3A_435, %get3A_435, %get3A_435, %get3A_435 in 0 : vector<64x6xf32>, vector<64x6xf32>, vector<64x6xf32>, vector<64x6xf32>, vector<64x6xf32>, vector<64x6xf32> -> vector<384x6xf32>
    %get3A_437 = arith.constant 0 : index
    %get3A_438 = arith.constant 0 : index
    %get3A_439 = vector.load %arg13[%get3A_437, %get3A_438] : memref<1x64xf32, #tpu.memory_space<vmem>>, vector<1x64xf32>
    %concatenate3A_440 = tpu.concatenate %get3A_439, %get3A_439, %get3A_439, %get3A_439, %get3A_439, %get3A_439, %get3A_439, %get3A_439, %get3A_439, %get3A_439, %get3A_439, %get3A_439 in 1 : vector<1x64xf32>, vector<1x64xf32>, vector<1x64xf32>, vector<1x64xf32>, vector<1x64xf32>, vector<1x64xf32>, vector<1x64xf32>, vector<1x64xf32>, vector<1x64xf32>, vector<1x64xf32>, vector<1x64xf32>, vector<1x64xf32> -> vector<1x768xf32>
    %get3A_441 = arith.constant 0 : index
    %get3A_442 = arith.constant 0 : index
    %get3A_443 = vector.load %arg15[%get3A_441, %get3A_442] : memref<1x64xf32, #tpu.memory_space<vmem>>, vector<1x64xf32>
    %concatenate3A_444 = tpu.concatenate %get3A_443, %get3A_443, %get3A_443, %get3A_443, %get3A_443, %get3A_443 in 1 : vector<1x64xf32>, vector<1x64xf32>, vector<1x64xf32>, vector<1x64xf32>, vector<1x64xf32>, vector<1x64xf32> -> vector<1x384xf32>
    %get3A_445 = arith.constant 0 : index
    %get3A_446 = arith.constant 0 : index
    %get3A_447 = vector.load %arg17[%get3A_445, %get3A_446] : memref<1x64xf32, #tpu.memory_space<vmem>>, vector<1x64xf32>
    %concatenate3A_448 = tpu.concatenate %get3A_447, %get3A_447, %get3A_447, %get3A_447, %get3A_447, %get3A_447 in 1 : vector<1x64xf32>, vector<1x64xf32>, vector<1x64xf32>, vector<1x64xf32>, vector<1x64xf32>, vector<1x64xf32> -> vector<1x384xf32>
    %get3A_449 = arith.constant 0 : index
    %get3A_450 = arith.constant 0 : index
    %get3A_451 = vector.load %arg18[%get3A_449, %get3A_450] : memref<1x64xf32, #tpu.memory_space<vmem>>, vector<1x64xf32>
    %concatenate3A_452 = tpu.concatenate %get3A_451, %get3A_451, %get3A_451, %get3A_451, %get3A_451, %get3A_451 in 1 : vector<1x64xf32>, vector<1x64xf32>, vector<1x64xf32>, vector<1x64xf32>, vector<1x64xf32>, vector<1x64xf32> -> vector<1x384xf32>
    %get3A_453 = arith.constant 0 : index
    %get3A_454 = arith.constant 0 : index
    %get3A_455 = vector.load %arg19[%get3A_453, %get3A_454] : memref<1x64xf32, #tpu.memory_space<vmem>>, vector<1x64xf32>
    %concatenate3A_456 = tpu.concatenate %get3A_455, %get3A_455, %get3A_455, %get3A_455, %get3A_455, %get3A_455 in 1 : vector<1x64xf32>, vector<1x64xf32>, vector<1x64xf32>, vector<1x64xf32>, vector<1x64xf32>, vector<1x64xf32> -> vector<1x384xf32>
    %get3A_457 = arith.constant 0 : index
    %get3A_458 = arith.constant 0 : index
    %get3A_459 = vector.load %arg31[%get3A_457, %get3A_458] : memref<1x64xf32, #tpu.memory_space<vmem>>, vector<1x64xf32>
    %concatenate3A_460 = tpu.concatenate %get3A_459, %get3A_459, %get3A_459, %get3A_459, %get3A_459, %get3A_459 in 1 : vector<1x64xf32>, vector<1x64xf32>, vector<1x64xf32>, vector<1x64xf32>, vector<1x64xf32>, vector<1x64xf32> -> vector<1x384xf32>
    %get3A_461 = arith.constant 0 : index
    %get3A_462 = arith.constant 0 : index
    %get3A_463 = vector.load %arg33[%get3A_461, %get3A_462] : memref<1x64xf32, #tpu.memory_space<vmem>>, vector<1x64xf32>
    %concatenate3A_464 = tpu.concatenate %get3A_463, %get3A_463, %get3A_463, %get3A_463, %get3A_463, %get3A_463 in 1 : vector<1x64xf32>, vector<1x64xf32>, vector<1x64xf32>, vector<1x64xf32>, vector<1x64xf32>, vector<1x64xf32> -> vector<1x384xf32>
    %get3A_465 = arith.constant 0 : index
    %get3A_466 = arith.constant 0 : index
    %get3A_467 = vector.load %arg35[%get3A_465, %get3A_466] : memref<1x64xf32, #tpu.memory_space<vmem>>, vector<1x64xf32>
    %concatenate3A_468 = tpu.concatenate %get3A_467, %get3A_467, %get3A_467, %get3A_467, %get3A_467, %get3A_467 in 1 : vector<1x64xf32>, vector<1x64xf32>, vector<1x64xf32>, vector<1x64xf32>, vector<1x64xf32>, vector<1x64xf32> -> vector<1x384xf32>
    %get3A_469 = arith.constant 0 : index
    %get3A_470 = arith.constant 0 : index
    %get3A_471 = vector.load %arg36[%get3A_469, %get3A_470] : memref<1x64xf32, #tpu.memory_space<vmem>>, vector<1x64xf32>
    %concatenate3A_472 = tpu.concatenate %get3A_471, %get3A_471, %get3A_471, %get3A_471, %get3A_471, %get3A_471 in 1 : vector<1x64xf32>, vector<1x64xf32>, vector<1x64xf32>, vector<1x64xf32>, vector<1x64xf32>, vector<1x64xf32> -> vector<1x384xf32>
    %get3A_473 = arith.constant 0 : index
    %get3A_474 = arith.constant 0 : index
    %get3A_475 = vector.load %arg37[%get3A_473, %get3A_474] : memref<1x64xf32, #tpu.memory_space<vmem>>, vector<1x64xf32>
    %concatenate3A_476 = tpu.concatenate %get3A_475, %get3A_475, %get3A_475, %get3A_475, %get3A_475, %get3A_475 in 1 : vector<1x64xf32>, vector<1x64xf32>, vector<1x64xf32>, vector<1x64xf32>, vector<1x64xf32>, vector<1x64xf32> -> vector<1x384xf32>
    %get3A_477 = arith.constant 0 : index
    %get3A_478 = arith.constant 0 : index
    %get3A_479 = arith.constant 0 : index
    %get3A_480 = vector.load %arg1[%get3A_477, %get3A_478, %get3A_479] : memref<2x896x12xf32, #tpu.memory_space<vmem>>, vector<1x896x12xf32>
    %get3A_481 = vector.shape_cast %get3A_480 : vector<1x896x12xf32> to vector<896x12xf32>
    %get3A_482 = arith.constant 0 : index
    %get3A_483 = arith.constant 0 : index
    %get3A_484 = vector.load %arg2[%get3A_482, %get3A_483] : memref<1x896xf32, #tpu.memory_space<vmem>>, vector<1x896xf32>
    %dot_general3A_485 = arith.constant dense<0.000000e+00> : vector<1x12xf32>
    %dot_general3A_486 = tpu.matmul %get3A_484, %get3A_481, %dot_general3A_485 {dimension_numbers = #tpu.dot_dimension_numbers<[1], [0], [0], [1], [0, 0, 1, 1], [], []>, transpose_lhs_hint = false} : vector<1x896xf32>, vector<896x12xf32>, vector<1x12xf32> -> vector<1x12xf32>
    %get3A_487 = arith.constant 0 : index
    %get3A_488 = arith.constant 0 : index
    %get3A_489 = vector.load %arg4[%get3A_487, %get3A_488] : memref<1x1xf32, #tpu.memory_space<vmem>>, vector<1x1xf32>
    %mul3A_490 = vector.broadcast %get3A_489 : vector<1x1xf32> to vector<896x12xf32>
    %mul3A_491 = arith.mulf %mul3A_490, %get3A_481 : vector<896x12xf32>
    %get3A_492 = arith.constant 0 : index
    %get3A_493 = arith.constant 0 : index
    %get3A_494 = vector.load %arg3[%get3A_492, %get3A_493] : memref<1x896xf32, #tpu.memory_space<vmem>>, vector<1x896xf32>
    %dot_general3A_495 = arith.constant dense<0.000000e+00> : vector<1x12xf32>
    %dot_general3A_496 = tpu.matmul %get3A_494, %mul3A_491, %dot_general3A_495 {dimension_numbers = #tpu.dot_dimension_numbers<[1], [0], [0], [1], [0, 0, 1, 1], [], []>, transpose_lhs_hint = false} : vector<1x896xf32>, vector<896x12xf32>, vector<1x12xf32> -> vector<1x12xf32>
    %dot_general3A_497 = arith.constant dense<0.000000e+00> : vector<12x12xf32>
    %dot_general3A_498 = tpu.matmul %dot_general3A_486, %dot_general3A_496, %dot_general3A_497 {dimension_numbers = #tpu.dot_dimension_numbers<[0], [0], [1], [1], [0, 1, 1, 1], [], []>, transpose_lhs_hint = false} : vector<1x12xf32>, vector<1x12xf32>, vector<12x12xf32> -> vector<12x12xf32>
    %get3A_499 = arith.constant 0 : index
    %get3A_500 = arith.constant 0 : index
    %get3A_501 = vector.load %arg6[%get3A_499, %get3A_500] : memref<12x12xf32, #tpu.memory_space<vmem>>, vector<12x12xf32>
    %get3A_502 = arith.constant 0 : index
    %get3A_503 = arith.constant 0 : index
    %get3A_504 = vector.load %arg5[%get3A_502, %get3A_503] : memref<12x12xf32, #tpu.memory_space<vmem>>, vector<12x12xf32>
    %add3A_505 = arith.addf %dot_general3A_498, %get3A_504 : vector<12x12xf32>
    %neg3A_506 = arith.constant 0.000000e+00 : f32
    %neg3A_507 = vector.broadcast %neg3A_506 : f32 to vector<12x12xf32>
    %neg3A_508 = arith.subf %neg3A_507, %add3A_505 : vector<12x12xf32>
    %exp3A = math.exp %neg3A_508 : vector<12x12xf32>
    %add3A_509 = arith.constant 1.000000e+00 : f32
    %add3A_510 = vector.broadcast %add3A_509 : f32 to vector<12x12xf32>
    %add3A_511 = arith.addf %add3A_510, %exp3A : vector<12x12xf32>
    %div3A_512 = arith.constant 1.000000e+00 : f32
    %div3A_513 = vector.broadcast %div3A_512 : f32 to vector<12x12xf32>
    %div3A_514 = arith.divf %div3A_513, %add3A_511 : vector<12x12xf32>
    %dot_general3A_515 = arith.constant dense<0.000000e+00> : vector<12x12xf32>
    %dot_general3A_516 = tpu.matmul %get3A_501, %div3A_514, %dot_general3A_515 {dimension_numbers = #tpu.dot_dimension_numbers<[1], [0], [0], [1], [0, 0, 1, 1], [], []>, transpose_lhs_hint = false} : vector<12x12xf32>, vector<12x12xf32>, vector<12x12xf32> -> vector<12x12xf32>
    %reduce_max3A = arith.constant dense<0xFF800000> : vector<12xf32>
    %reduce_max3A_517 = vector.multi_reduction <maximumf>, %dot_general3A_516, %reduce_max3A [0] : vector<12x12xf32> to vector<12xf32>
    %broadcast_in_dim3A_518 = vector.shape_cast %reduce_max3A_517 : vector<12xf32> to vector<1x12xf32>
    %sub3A_519 = vector.broadcast %broadcast_in_dim3A_518 : vector<1x12xf32> to vector<12x12xf32>
    %sub3A_520 = arith.subf %dot_general3A_516, %sub3A_519 : vector<12x12xf32>
    %exp3A_521 = math.exp %sub3A_520 : vector<12x12xf32>
    %reduce_sum3A_522 = arith.constant dense<0.000000e+00> : vector<12xf32>
    %reduce_sum3A_523 = vector.multi_reduction <add>, %exp3A_521, %reduce_sum3A_522 [0] : vector<12x12xf32> to vector<12xf32>
    %broadcast_in_dim3A_524 = vector.shape_cast %reduce_sum3A_523 : vector<12xf32> to vector<1x12xf32>
    %div3A_525 = vector.broadcast %broadcast_in_dim3A_524 : vector<1x12xf32> to vector<12x12xf32>
    %div3A_526 = arith.divf %exp3A_521, %div3A_525 : vector<12x12xf32>
    %dot_general3A_527 = arith.constant dense<0.000000e+00> : vector<896x12xf32>
    %dot_general3A_528 = tpu.matmul %get3A_481, %div3A_526, %dot_general3A_527 {dimension_numbers = #tpu.dot_dimension_numbers<[1], [0], [0], [1], [0, 0, 1, 1], [], []>, transpose_lhs_hint = false} : vector<896x12xf32>, vector<12x12xf32>, vector<896x12xf32> -> vector<896x12xf32>
    %get3A_529 = arith.constant 0 : index
    %get3A_530 = arith.constant 0 : index
    %get3A_531 = vector.load %arg7[%get3A_529, %get3A_530] : memref<12x1xf32, #tpu.memory_space<vmem>>, vector<12x1xf32>
    %dot_general3A_532 = arith.constant dense<0.000000e+00> : vector<896x1xf32>
    %dot_general3A_533 = tpu.matmul %dot_general3A_528, %get3A_531, %dot_general3A_532 {dimension_numbers = #tpu.dot_dimension_numbers<[1], [0], [0], [1], [0, 0, 1, 1], [], []>, transpose_lhs_hint = false} : vector<896x12xf32>, vector<12x1xf32>, vector<896x1xf32> -> vector<896x1xf32>
    %get3A_534 = arith.constant 0 : index
    %get3A_535 = arith.constant 0 : index
    %get3A_536 = vector.load %arg8[%get3A_534, %get3A_535] : memref<1x12xf32, #tpu.memory_space<vmem>>, vector<1x12xf32>
    %dot_general3A_537 = arith.constant dense<0.000000e+00> : vector<896x12xf32>
    %dot_general3A_538 = tpu.matmul %dot_general3A_533, %get3A_536, %dot_general3A_537 {dimension_numbers = #tpu.dot_dimension_numbers<[1], [0], [0], [1], [0, 0, 1, 1], [], []>, transpose_lhs_hint = false} : vector<896x1xf32>, vector<1x12xf32>, vector<896x12xf32> -> vector<896x12xf32>
    %get3A_539 = arith.constant 0 : index
    %get3A_540 = arith.constant 0 : index
    %get3A_541 = vector.load %arg9[%get3A_539, %get3A_540] : memref<1x1xf32, #tpu.memory_space<vmem>>, vector<1x1xf32>
    %mul3A_542 = vector.broadcast %get3A_541 : vector<1x1xf32> to vector<896x12xf32>
    %mul3A_543 = arith.mulf %mul3A_542, %dot_general3A_528 : vector<896x12xf32>
    %dot_general3A_544 = arith.constant dense<0.000000e+00> : vector<896x896xf32>
    %dot_general3A_545 = tpu.matmul %dot_general3A_538, %mul3A_543, %dot_general3A_544 {dimension_numbers = #tpu.dot_dimension_numbers<[1], [1], [0], [0], [0, 0, 1, 0], [], []>, transpose_lhs_hint = false} : vector<896x12xf32>, vector<896x12xf32>, vector<896x896xf32> -> vector<896x896xf32>
    %get3A_546 = arith.constant 0 : index
    %get3A_547 = arith.constant 0 : index
    %get3A_548 = vector.load %arg10[%get3A_546, %get3A_547] : memref<896x896xf32, #tpu.memory_space<vmem>>, vector<896x896xf32>
    %add3A_549 = arith.addf %dot_general3A_545, %get3A_548 : vector<896x896xf32>
    %get3A_550 = arith.constant 0 : index
    %get3A_551 = arith.constant 0 : index
    %get3A_552 = vector.load %arg11[%get3A_550, %get3A_551] : memref<896x896xf32, #tpu.memory_space<vmem>>, vector<896x896xf32>
    %neg3A_553 = arith.constant 0.000000e+00 : f32
    %neg3A_554 = vector.broadcast %neg3A_553 : f32 to vector<896x896xf32>
    %neg3A_555 = arith.subf %neg3A_554, %add3A_549 : vector<896x896xf32>
    %exp3A_556 = math.exp %neg3A_555 : vector<896x896xf32>
    %add3A_557 = arith.constant 1.000000e+00 : f32
    %add3A_558 = vector.broadcast %add3A_557 : f32 to vector<896x896xf32>
    %add3A_559 = arith.addf %add3A_558, %exp3A_556 : vector<896x896xf32>
    %div3A_560 = arith.constant 1.000000e+00 : f32
    %div3A_561 = vector.broadcast %div3A_560 : f32 to vector<896x896xf32>
    %div3A_562 = arith.divf %div3A_561, %add3A_559 : vector<896x896xf32>
    %dot_general3A_563 = arith.constant dense<0.000000e+00> : vector<896x896xf32>
    %dot_general3A_564 = tpu.matmul %get3A_552, %div3A_562, %dot_general3A_563 {dimension_numbers = #tpu.dot_dimension_numbers<[1], [0], [0], [1], [0, 0, 1, 1], [], []>, transpose_lhs_hint = false} : vector<896x896xf32>, vector<896x896xf32>, vector<896x896xf32> -> vector<896x896xf32>
    %jit3A_565 = arith.constant -1.000000e+30 : f32
    %broadcast_in_dim3A_566 = vector.shape_cast %lt3A_1 : vector<896x1xi1> to vector<896x1xi1>
    %broadcast_in_dim3A_567 = vector.broadcast %broadcast_in_dim3A_566 : vector<896x1xi1> to vector<896x896xi1>
    %broadcast_in_dim3A_568 = vector.broadcast %jit3A_565 : f32 to vector<896x896xf32>
    %select_n3A_569 = arith.select %broadcast_in_dim3A_567, %dot_general3A_564, %broadcast_in_dim3A_568 : vector<896x896xi1>, vector<896x896xf32>
    %reduce_max3A_570 = arith.constant dense<0xFF800000> : vector<896xf32>
    %reduce_max3A_571 = vector.multi_reduction <maximumf>, %select_n3A_569, %reduce_max3A_570 [0] : vector<896x896xf32> to vector<896xf32>
    %broadcast_in_dim3A_572 = vector.shape_cast %reduce_max3A_571 : vector<896xf32> to vector<1x896xf32>
    %sub3A_573 = vector.broadcast %broadcast_in_dim3A_572 : vector<1x896xf32> to vector<896x896xf32>
    %sub3A_574 = arith.subf %select_n3A_569, %sub3A_573 : vector<896x896xf32>
    %exp3A_575 = math.exp %sub3A_574 : vector<896x896xf32>
    %jit3A_576 = arith.constant 0.000000e+00 : f32
    %broadcast_in_dim3A_577 = vector.shape_cast %lt3A_1 : vector<896x1xi1> to vector<896x1xi1>
    %broadcast_in_dim3A_578 = vector.broadcast %broadcast_in_dim3A_577 : vector<896x1xi1> to vector<896x896xi1>
    %broadcast_in_dim3A_579 = vector.broadcast %jit3A_576 : f32 to vector<896x896xf32>
    %select_n3A_580 = arith.select %broadcast_in_dim3A_578, %exp3A_575, %broadcast_in_dim3A_579 : vector<896x896xi1>, vector<896x896xf32>
    %reduce_sum3A_581 = arith.constant dense<0.000000e+00> : vector<896xf32>
    %reduce_sum3A_582 = vector.multi_reduction <add>, %select_n3A_580, %reduce_sum3A_581 [0] : vector<896x896xf32> to vector<896xf32>
    %broadcast_in_dim3A_583 = vector.shape_cast %reduce_sum3A_582 : vector<896xf32> to vector<1x896xf32>
    %div3A_584 = vector.broadcast %broadcast_in_dim3A_583 : vector<1x896xf32> to vector<896x896xf32>
    %div3A_585 = arith.divf %select_n3A_580, %div3A_584 : vector<896x896xf32>
    %jit3A_586 = arith.constant 0.000000e+00 : f32
    %broadcast_in_dim3A_587 = vector.broadcast %jit3A_586 : f32 to vector<896x896xf32>
    %select_n3A_588 = arith.select %eq3A, %div3A_585, %broadcast_in_dim3A_587 : vector<896x896xi1>, vector<896x896xf32>
    %reduce_sum3A_589 = arith.constant dense<0.000000e+00> : vector<896xf32>
    %reduce_sum3A_590 = vector.multi_reduction <add>, %select_n3A_588, %reduce_sum3A_589 [1] : vector<896x896xf32> to vector<896xf32>
    %broadcast_in_dim3A_591 = vector.shape_cast %reduce_sum3A_590 : vector<896xf32> to vector<896x1xf32>
    %mul3A_592 = vector.broadcast %broadcast_in_dim3A_591 : vector<896x1xf32> to vector<896x12xf32>
    %mul3A_593 = arith.mulf %mul3A_592, %get3A_481 : vector<896x12xf32>
    %mul3A_594 = arith.mulf %neg3A_14, %div3A_585 : vector<896x896xf32>
    %dot_general3A_595 = arith.constant dense<0.000000e+00> : vector<896x12xf32>
    %dot_general3A_596 = tpu.matmul %mul3A_594, %mul3A_593, %dot_general3A_595 {dimension_numbers = #tpu.dot_dimension_numbers<[1], [0], [0], [1], [0, 0, 1, 1], [], []>, transpose_lhs_hint = false} : vector<896x896xf32>, vector<896x12xf32>, vector<896x12xf32> -> vector<896x12xf32>
    %dot_general3A_597 = arith.constant dense<0.000000e+00> : vector<896x12xf32>
    %dot_general3A_598 = tpu.matmul %neg3A_14, %dot_general3A_596, %dot_general3A_597 {dimension_numbers = #tpu.dot_dimension_numbers<[1], [0], [0], [1], [0, 0, 1, 1], [], []>, transpose_lhs_hint = false} : vector<896x896xf32>, vector<896x12xf32>, vector<896x12xf32> -> vector<896x12xf32>
    %mul3A_599 = arith.constant 2.000000e+00 : f32
    %mul3A_600 = vector.broadcast %mul3A_599 : f32 to vector<896x12xf32>
    %mul3A_601 = arith.mulf %mul3A_600, %dot_general3A_598 : vector<896x12xf32>
    %sub3A_602 = arith.subf %mul3A_601, %mul3A_593 : vector<896x12xf32>
    %concatenate3A_603 = tpu.concatenate %mul3A_593, %dot_general3A_596, %sub3A_602 in 1 : vector<896x12xf32>, vector<896x12xf32>, vector<896x12xf32> -> vector<896x36xf32>
    %dot_general3A_604 = arith.constant dense<0.000000e+00> : vector<896x768xf32>
    %dot_general3A_605 = tpu.matmul %concatenate3A_603, %concatenate3A_217, %dot_general3A_604 {dimension_numbers = #tpu.dot_dimension_numbers<[1], [0], [0], [1], [0, 0, 1, 1], [], []>, transpose_lhs_hint = false} : vector<896x36xf32>, vector<36x768xf32>, vector<896x768xf32> -> vector<896x768xf32>
    %add3A_606 = vector.broadcast %concatenate3A_440 : vector<1x768xf32> to vector<896x768xf32>
    %add3A_607 = arith.addf %dot_general3A_605, %add3A_606 : vector<896x768xf32>
    %max3A_608 = arith.constant 0.000000e+00 : f32
    %max3A_609 = vector.broadcast %max3A_608 : f32 to vector<896x768xf32>
    %max3A_610 = arith.maximumf %add3A_607, %max3A_609 : vector<896x768xf32>
    %dot_general3A_611 = arith.constant dense<0.000000e+00> : vector<896x384xf32>
    %dot_general3A_612 = tpu.matmul %max3A_610, %add3A_333, %dot_general3A_611 {dimension_numbers = #tpu.dot_dimension_numbers<[1], [0], [0], [1], [0, 0, 1, 1], [], []>, transpose_lhs_hint = false} : vector<896x768xf32>, vector<768x384xf32>, vector<896x384xf32> -> vector<896x384xf32>
    %add3A_613 = vector.broadcast %concatenate3A_444 : vector<1x384xf32> to vector<896x384xf32>
    %add3A_614 = arith.addf %dot_general3A_612, %add3A_613 : vector<896x384xf32>
    %dot_general3A_615 = arith.constant dense<0.000000e+00> : vector<896x384xf32>
    %dot_general3A_616 = tpu.matmul %get3A_481, %select_n3A_379, %dot_general3A_615 {dimension_numbers = #tpu.dot_dimension_numbers<[1], [0], [0], [1], [0, 0, 1, 1], [], []>, transpose_lhs_hint = false} : vector<896x12xf32>, vector<12x384xf32>, vector<896x384xf32> -> vector<896x384xf32>
    %add3A_617 = arith.addf %add3A_614, %dot_general3A_616 : vector<896x384xf32>
    %add3A_618 = vector.broadcast %concatenate3A_448 : vector<1x384xf32> to vector<896x384xf32>
    %add3A_619 = arith.addf %add3A_617, %add3A_618 : vector<896x384xf32>
    %max3A_620 = arith.constant 0.000000e+00 : f32
    %max3A_621 = vector.broadcast %max3A_620 : f32 to vector<896x384xf32>
    %max3A_622 = arith.maximumf %add3A_619, %max3A_621 : vector<896x384xf32>
    %dot_general3A_623 = arith.constant dense<0.000000e+00> : vector<896x384xf32>
    %dot_general3A_624 = tpu.matmul %max3A_622, %select_n3A_80, %dot_general3A_623 {dimension_numbers = #tpu.dot_dimension_numbers<[1], [0], [0], [1], [0, 0, 1, 1], [], []>, transpose_lhs_hint = false} : vector<896x384xf32>, vector<384x384xf32>, vector<896x384xf32> -> vector<896x384xf32>
    %sub3A_625 = arith.subf %max3A_622, %dot_general3A_624 : vector<896x384xf32>
    %mul3A_626 = arith.mulf %sub3A_625, %sub3A_625 : vector<896x384xf32>
    %dot_general3A_627 = arith.constant dense<0.000000e+00> : vector<896x384xf32>
    %dot_general3A_628 = tpu.matmul %mul3A_626, %select_n3A_80, %dot_general3A_627 {dimension_numbers = #tpu.dot_dimension_numbers<[1], [0], [0], [1], [0, 0, 1, 1], [], []>, transpose_lhs_hint = false} : vector<896x384xf32>, vector<384x384xf32>, vector<896x384xf32> -> vector<896x384xf32>
    %add3A_629 = arith.constant 9.99999974E-6 : f32
    %add3A_630 = vector.broadcast %add3A_629 : f32 to vector<896x384xf32>
    %add3A_631 = arith.addf %dot_general3A_628, %add3A_630 : vector<896x384xf32>
    %rsqrt3A_632 = math.rsqrt %add3A_631 : vector<896x384xf32>
    %mul3A_633 = arith.mulf %sub3A_625, %rsqrt3A_632 : vector<896x384xf32>
    %mul3A_634 = vector.broadcast %concatenate3A_452 : vector<1x384xf32> to vector<896x384xf32>
    %mul3A_635 = arith.mulf %mul3A_633, %mul3A_634 : vector<896x384xf32>
    %add3A_636 = vector.broadcast %concatenate3A_456 : vector<1x384xf32> to vector<896x384xf32>
    %add3A_637 = arith.addf %mul3A_635, %add3A_636 : vector<896x384xf32>
    %get3A_638 = arith.constant 0 : index
    %get3A_639 = arith.constant 0 : index
    %get3A_640 = vector.load %arg20[%get3A_638, %get3A_639] : memref<1x896xf32, #tpu.memory_space<vmem>>, vector<1x896xf32>
    %dot_general3A_641 = arith.constant dense<0.000000e+00> : vector<1x384xf32>
    %dot_general3A_642 = tpu.matmul %get3A_640, %add3A_637, %dot_general3A_641 {dimension_numbers = #tpu.dot_dimension_numbers<[1], [0], [0], [1], [0, 0, 1, 1], [], []>, transpose_lhs_hint = false} : vector<1x896xf32>, vector<896x384xf32>, vector<1x384xf32> -> vector<1x384xf32>
    %dot_general3A_643 = arith.constant dense<0.000000e+00> : vector<896x6xf32>
    %dot_general3A_644 = tpu.matmul %add3A_637, %select_n3A_422, %dot_general3A_643 {dimension_numbers = #tpu.dot_dimension_numbers<[1], [0], [0], [1], [0, 0, 1, 1], [], []>, transpose_lhs_hint = false} : vector<896x384xf32>, vector<384x6xf32>, vector<896x6xf32> -> vector<896x6xf32>
    %get3A_645 = arith.constant 0 : index
    %get3A_646 = arith.constant 0 : index
    %get3A_647 = vector.load %arg21[%get3A_645, %get3A_646] : memref<64x896xf32, #tpu.memory_space<vmem>>, vector<64x896xf32>
    %dot_general3A_648 = arith.constant dense<0.000000e+00> : vector<64x6xf32>
    %dot_general3A_649 = tpu.matmul %get3A_647, %dot_general3A_644, %dot_general3A_648 {dimension_numbers = #tpu.dot_dimension_numbers<[1], [0], [0], [1], [0, 0, 1, 1], [], []>, transpose_lhs_hint = false} : vector<64x896xf32>, vector<896x6xf32>, vector<64x6xf32> -> vector<64x6xf32>
    %slice3A = vector.extract_strided_slice %dot_general3A_642 {offsets = [0, 0], sizes = [1, 64], strides = [1, 1]} : vector<1x384xf32> to vector<1x64xf32>
    %dot_general3A_650 = arith.constant dense<0.000000e+00> : vector<1x6xf32>
    %dot_general3A_651 = tpu.matmul %slice3A, %dot_general3A_649, %dot_general3A_650 {dimension_numbers = #tpu.dot_dimension_numbers<[1], [0], [0], [1], [0, 0, 1, 1], [], []>, transpose_lhs_hint = false} : vector<1x64xf32>, vector<64x6xf32>, vector<1x6xf32> -> vector<1x6xf32>
    %slice3A_652 = vector.extract_strided_slice %dot_general3A_642 {offsets = [0, 64], sizes = [1, 64], strides = [1, 1]} : vector<1x384xf32> to vector<1x64xf32>
    %dot_general3A_653 = arith.constant dense<0.000000e+00> : vector<1x6xf32>
    %dot_general3A_654 = tpu.matmul %slice3A_652, %dot_general3A_649, %dot_general3A_653 {dimension_numbers = #tpu.dot_dimension_numbers<[1], [0], [0], [1], [0, 0, 1, 1], [], []>, transpose_lhs_hint = false} : vector<1x64xf32>, vector<64x6xf32>, vector<1x6xf32> -> vector<1x6xf32>
    %slice3A_655 = vector.extract_strided_slice %dot_general3A_642 {offsets = [0, 128], sizes = [1, 64], strides = [1, 1]} : vector<1x384xf32> to vector<1x64xf32>
    %dot_general3A_656 = arith.constant dense<0.000000e+00> : vector<1x6xf32>
    %dot_general3A_657 = tpu.matmul %slice3A_655, %dot_general3A_649, %dot_general3A_656 {dimension_numbers = #tpu.dot_dimension_numbers<[1], [0], [0], [1], [0, 0, 1, 1], [], []>, transpose_lhs_hint = false} : vector<1x64xf32>, vector<64x6xf32>, vector<1x6xf32> -> vector<1x6xf32>
    %slice3A_658 = vector.extract_strided_slice %dot_general3A_642 {offsets = [0, 192], sizes = [1, 64], strides = [1, 1]} : vector<1x384xf32> to vector<1x64xf32>
    %dot_general3A_659 = arith.constant dense<0.000000e+00> : vector<1x6xf32>
    %dot_general3A_660 = tpu.matmul %slice3A_658, %dot_general3A_649, %dot_general3A_659 {dimension_numbers = #tpu.dot_dimension_numbers<[1], [0], [0], [1], [0, 0, 1, 1], [], []>, transpose_lhs_hint = false} : vector<1x64xf32>, vector<64x6xf32>, vector<1x6xf32> -> vector<1x6xf32>
    %slice3A_661 = vector.extract_strided_slice %dot_general3A_642 {offsets = [0, 256], sizes = [1, 64], strides = [1, 1]} : vector<1x384xf32> to vector<1x64xf32>
    %dot_general3A_662 = arith.constant dense<0.000000e+00> : vector<1x6xf32>
    %dot_general3A_663 = tpu.matmul %slice3A_661, %dot_general3A_649, %dot_general3A_662 {dimension_numbers = #tpu.dot_dimension_numbers<[1], [0], [0], [1], [0, 0, 1, 1], [], []>, transpose_lhs_hint = false} : vector<1x64xf32>, vector<64x6xf32>, vector<1x6xf32> -> vector<1x6xf32>
    %slice3A_664 = vector.extract_strided_slice %dot_general3A_642 {offsets = [0, 320], sizes = [1, 64], strides = [1, 1]} : vector<1x384xf32> to vector<1x64xf32>
    %dot_general3A_665 = arith.constant dense<0.000000e+00> : vector<1x6xf32>
    %dot_general3A_666 = tpu.matmul %slice3A_664, %dot_general3A_649, %dot_general3A_665 {dimension_numbers = #tpu.dot_dimension_numbers<[1], [0], [0], [1], [0, 0, 1, 1], [], []>, transpose_lhs_hint = false} : vector<1x64xf32>, vector<64x6xf32>, vector<1x6xf32> -> vector<1x6xf32>
    %concatenate3A_667 = tpu.concatenate %dot_general3A_651, %dot_general3A_654, %dot_general3A_657, %dot_general3A_660, %dot_general3A_663, %dot_general3A_666 in 0 : vector<1x6xf32>, vector<1x6xf32>, vector<1x6xf32>, vector<1x6xf32>, vector<1x6xf32>, vector<1x6xf32> -> vector<6x6xf32>
    %get3A_668 = arith.constant 0 : index
    %get3A_669 = arith.constant 0 : index
    %get3A_670 = vector.load %arg24[%get3A_668, %get3A_669] : memref<6x6xf32, #tpu.memory_space<vmem>>, vector<6x6xf32>
    %get3A_671 = arith.constant 0 : index
    %get3A_672 = arith.constant 0 : index
    %get3A_673 = vector.load %arg23[%get3A_671, %get3A_672] : memref<6x6xf32, #tpu.memory_space<vmem>>, vector<6x6xf32>
    %add3A_674 = arith.addf %concatenate3A_667, %get3A_673 : vector<6x6xf32>
    %neg3A_675 = arith.constant 0.000000e+00 : f32
    %neg3A_676 = vector.broadcast %neg3A_675 : f32 to vector<6x6xf32>
    %neg3A_677 = arith.subf %neg3A_676, %add3A_674 : vector<6x6xf32>
    %exp3A_678 = math.exp %neg3A_677 : vector<6x6xf32>
    %add3A_679 = arith.constant 1.000000e+00 : f32
    %add3A_680 = vector.broadcast %add3A_679 : f32 to vector<6x6xf32>
    %add3A_681 = arith.addf %add3A_680, %exp3A_678 : vector<6x6xf32>
    %div3A_682 = arith.constant 1.000000e+00 : f32
    %div3A_683 = vector.broadcast %div3A_682 : f32 to vector<6x6xf32>
    %div3A_684 = arith.divf %div3A_683, %add3A_681 : vector<6x6xf32>
    %dot_general3A_685 = arith.constant dense<0.000000e+00> : vector<6x6xf32>
    %dot_general3A_686 = tpu.matmul %get3A_670, %div3A_684, %dot_general3A_685 {dimension_numbers = #tpu.dot_dimension_numbers<[1], [0], [0], [1], [0, 0, 1, 1], [], []>, transpose_lhs_hint = false} : vector<6x6xf32>, vector<6x6xf32>, vector<6x6xf32> -> vector<6x6xf32>
    %reduce_max3A_687 = arith.constant dense<0xFF800000> : vector<6xf32>
    %reduce_max3A_688 = vector.multi_reduction <maximumf>, %dot_general3A_686, %reduce_max3A_687 [0] : vector<6x6xf32> to vector<6xf32>
    %broadcast_in_dim3A_689 = vector.shape_cast %reduce_max3A_688 : vector<6xf32> to vector<1x6xf32>
    %sub3A_690 = vector.broadcast %broadcast_in_dim3A_689 : vector<1x6xf32> to vector<6x6xf32>
    %sub3A_691 = arith.subf %dot_general3A_686, %sub3A_690 : vector<6x6xf32>
    %exp3A_692 = math.exp %sub3A_691 : vector<6x6xf32>
    %reduce_sum3A_693 = arith.constant dense<0.000000e+00> : vector<6xf32>
    %reduce_sum3A_694 = vector.multi_reduction <add>, %exp3A_692, %reduce_sum3A_693 [0] : vector<6x6xf32> to vector<6xf32>
    %broadcast_in_dim3A_695 = vector.shape_cast %reduce_sum3A_694 : vector<6xf32> to vector<1x6xf32>
    %div3A_696 = vector.broadcast %broadcast_in_dim3A_695 : vector<1x6xf32> to vector<6x6xf32>
    %div3A_697 = arith.divf %exp3A_692, %div3A_696 : vector<6x6xf32>
    %get3A_698 = arith.constant 0 : index
    %get3A_699 = arith.constant 0 : index
    %get3A_700 = vector.load %arg25[%get3A_698, %get3A_699] : memref<1x6xf32, #tpu.memory_space<vmem>>, vector<1x6xf32>
    %dot_general3A_701 = arith.constant dense<0.000000e+00> : vector<6x1xf32>
    %dot_general3A_702 = tpu.matmul %div3A_697, %get3A_700, %dot_general3A_701 {dimension_numbers = #tpu.dot_dimension_numbers<[1], [1], [0], [0], [0, 0, 1, 0], [], []>, transpose_lhs_hint = false} : vector<6x6xf32>, vector<1x6xf32>, vector<6x1xf32> -> vector<6x1xf32>
    %slice3A_703 = vector.extract_strided_slice %dot_general3A_702 {offsets = [0, 0], sizes = [1, 1], strides = [1, 1]} : vector<6x1xf32> to vector<1x1xf32>
    %broadcast_in_dim3A_704 = vector.shape_cast %slice3A_703 : vector<1x1xf32> to vector<1x1xf32>
    %broadcast_in_dim3A_705 = vector.broadcast %broadcast_in_dim3A_704 : vector<1x1xf32> to vector<64x1xf32>
    %slice3A_706 = vector.extract_strided_slice %dot_general3A_702 {offsets = [1, 0], sizes = [1, 1], strides = [1, 1]} : vector<6x1xf32> to vector<1x1xf32>
    %broadcast_in_dim3A_707 = vector.shape_cast %slice3A_706 : vector<1x1xf32> to vector<1x1xf32>
    %broadcast_in_dim3A_708 = vector.broadcast %broadcast_in_dim3A_707 : vector<1x1xf32> to vector<64x1xf32>
    %slice3A_709 = vector.extract_strided_slice %dot_general3A_702 {offsets = [2, 0], sizes = [1, 1], strides = [1, 1]} : vector<6x1xf32> to vector<1x1xf32>
    %broadcast_in_dim3A_710 = vector.shape_cast %slice3A_709 : vector<1x1xf32> to vector<1x1xf32>
    %broadcast_in_dim3A_711 = vector.broadcast %broadcast_in_dim3A_710 : vector<1x1xf32> to vector<64x1xf32>
    %slice3A_712 = vector.extract_strided_slice %dot_general3A_702 {offsets = [3, 0], sizes = [1, 1], strides = [1, 1]} : vector<6x1xf32> to vector<1x1xf32>
    %broadcast_in_dim3A_713 = vector.shape_cast %slice3A_712 : vector<1x1xf32> to vector<1x1xf32>
    %broadcast_in_dim3A_714 = vector.broadcast %broadcast_in_dim3A_713 : vector<1x1xf32> to vector<64x1xf32>
    %slice3A_715 = vector.extract_strided_slice %dot_general3A_702 {offsets = [4, 0], sizes = [1, 1], strides = [1, 1]} : vector<6x1xf32> to vector<1x1xf32>
    %broadcast_in_dim3A_716 = vector.shape_cast %slice3A_715 : vector<1x1xf32> to vector<1x1xf32>
    %broadcast_in_dim3A_717 = vector.broadcast %broadcast_in_dim3A_716 : vector<1x1xf32> to vector<64x1xf32>
    %slice3A_718 = vector.extract_strided_slice %dot_general3A_702 {offsets = [5, 0], sizes = [1, 1], strides = [1, 1]} : vector<6x1xf32> to vector<1x1xf32>
    %broadcast_in_dim3A_719 = vector.shape_cast %slice3A_718 : vector<1x1xf32> to vector<1x1xf32>
    %broadcast_in_dim3A_720 = vector.broadcast %broadcast_in_dim3A_719 : vector<1x1xf32> to vector<64x1xf32>
    %concatenate3A_721 = tpu.concatenate %broadcast_in_dim3A_705, %broadcast_in_dim3A_708, %broadcast_in_dim3A_711, %broadcast_in_dim3A_714, %broadcast_in_dim3A_717, %broadcast_in_dim3A_720 in 0 : vector<64x1xf32>, vector<64x1xf32>, vector<64x1xf32>, vector<64x1xf32>, vector<64x1xf32>, vector<64x1xf32> -> vector<384x1xf32>
    %mul3A_722 = vector.broadcast %concatenate3A_721 : vector<384x1xf32> to vector<384x6xf32>
    %mul3A_723 = arith.mulf %mul3A_722, %concatenate3A_436 : vector<384x6xf32>
    %dot_general3A_724 = arith.constant dense<0.000000e+00> : vector<896x6xf32>
    %dot_general3A_725 = tpu.matmul %add3A_637, %mul3A_723, %dot_general3A_724 {dimension_numbers = #tpu.dot_dimension_numbers<[1], [0], [0], [1], [0, 0, 1, 1], [], []>, transpose_lhs_hint = false} : vector<896x384xf32>, vector<384x6xf32>, vector<896x6xf32> -> vector<896x6xf32>
    %dot_general3A_726 = arith.constant dense<0.000000e+00> : vector<896x6xf32>
    %dot_general3A_727 = tpu.matmul %add3A_637, %select_n3A_432, %dot_general3A_726 {dimension_numbers = #tpu.dot_dimension_numbers<[1], [0], [0], [1], [0, 0, 1, 1], [], []>, transpose_lhs_hint = false} : vector<896x384xf32>, vector<384x6xf32>, vector<896x6xf32> -> vector<896x6xf32>
    %dot_general3A_728 = arith.constant dense<0.000000e+00> : vector<896x6xf32>
    %dot_general3A_729 = tpu.matmul %dot_general3A_727, %div3A_697, %dot_general3A_728 {dimension_numbers = #tpu.dot_dimension_numbers<[1], [0], [0], [1], [0, 0, 1, 1], [], []>, transpose_lhs_hint = false} : vector<896x6xf32>, vector<6x6xf32>, vector<896x6xf32> -> vector<896x6xf32>
    %dot_general3A_730 = arith.constant dense<0.000000e+00> : vector<896x896xf32>
    %dot_general3A_731 = tpu.matmul %dot_general3A_725, %dot_general3A_729, %dot_general3A_730 {dimension_numbers = #tpu.dot_dimension_numbers<[1], [1], [0], [0], [0, 0, 1, 0], [], []>, transpose_lhs_hint = false} : vector<896x6xf32>, vector<896x6xf32>, vector<896x896xf32> -> vector<896x896xf32>
    %get3A_732 = arith.constant 0 : index
    %get3A_733 = arith.constant 0 : index
    %get3A_734 = vector.load %arg28[%get3A_732, %get3A_733] : memref<896x896xf32, #tpu.memory_space<vmem>>, vector<896x896xf32>
    %add3A_735 = arith.addf %dot_general3A_731, %get3A_734 : vector<896x896xf32>
    %get3A_736 = arith.constant 0 : index
    %get3A_737 = arith.constant 0 : index
    %get3A_738 = vector.load %arg29[%get3A_736, %get3A_737] : memref<896x896xf32, #tpu.memory_space<vmem>>, vector<896x896xf32>
    %neg3A_739 = arith.constant 0.000000e+00 : f32
    %neg3A_740 = vector.broadcast %neg3A_739 : f32 to vector<896x896xf32>
    %neg3A_741 = arith.subf %neg3A_740, %add3A_735 : vector<896x896xf32>
    %exp3A_742 = math.exp %neg3A_741 : vector<896x896xf32>
    %add3A_743 = arith.constant 1.000000e+00 : f32
    %add3A_744 = vector.broadcast %add3A_743 : f32 to vector<896x896xf32>
    %add3A_745 = arith.addf %add3A_744, %exp3A_742 : vector<896x896xf32>
    %div3A_746 = arith.constant 1.000000e+00 : f32
    %div3A_747 = vector.broadcast %div3A_746 : f32 to vector<896x896xf32>
    %div3A_748 = arith.divf %div3A_747, %add3A_745 : vector<896x896xf32>
    %dot_general3A_749 = arith.constant dense<0.000000e+00> : vector<896x896xf32>
    %dot_general3A_750 = tpu.matmul %get3A_738, %div3A_748, %dot_general3A_749 {dimension_numbers = #tpu.dot_dimension_numbers<[1], [0], [0], [1], [0, 0, 1, 1], [], []>, transpose_lhs_hint = false} : vector<896x896xf32>, vector<896x896xf32>, vector<896x896xf32> -> vector<896x896xf32>
    %jit3A_751 = arith.constant -1.000000e+30 : f32
    %broadcast_in_dim3A_752 = vector.shape_cast %lt3A_1 : vector<896x1xi1> to vector<896x1xi1>
    %broadcast_in_dim3A_753 = vector.broadcast %broadcast_in_dim3A_752 : vector<896x1xi1> to vector<896x896xi1>
    %broadcast_in_dim3A_754 = vector.broadcast %jit3A_751 : f32 to vector<896x896xf32>
    %select_n3A_755 = arith.select %broadcast_in_dim3A_753, %dot_general3A_750, %broadcast_in_dim3A_754 : vector<896x896xi1>, vector<896x896xf32>
    %reduce_max3A_756 = arith.constant dense<0xFF800000> : vector<896xf32>
    %reduce_max3A_757 = vector.multi_reduction <maximumf>, %select_n3A_755, %reduce_max3A_756 [0] : vector<896x896xf32> to vector<896xf32>
    %broadcast_in_dim3A_758 = vector.shape_cast %reduce_max3A_757 : vector<896xf32> to vector<1x896xf32>
    %sub3A_759 = vector.broadcast %broadcast_in_dim3A_758 : vector<1x896xf32> to vector<896x896xf32>
    %sub3A_760 = arith.subf %select_n3A_755, %sub3A_759 : vector<896x896xf32>
    %exp3A_761 = math.exp %sub3A_760 : vector<896x896xf32>
    %jit3A_762 = arith.constant 0.000000e+00 : f32
    %broadcast_in_dim3A_763 = vector.shape_cast %lt3A_1 : vector<896x1xi1> to vector<896x1xi1>
    %broadcast_in_dim3A_764 = vector.broadcast %broadcast_in_dim3A_763 : vector<896x1xi1> to vector<896x896xi1>
    %broadcast_in_dim3A_765 = vector.broadcast %jit3A_762 : f32 to vector<896x896xf32>
    %select_n3A_766 = arith.select %broadcast_in_dim3A_764, %exp3A_761, %broadcast_in_dim3A_765 : vector<896x896xi1>, vector<896x896xf32>
    %reduce_sum3A_767 = arith.constant dense<0.000000e+00> : vector<896xf32>
    %reduce_sum3A_768 = vector.multi_reduction <add>, %select_n3A_766, %reduce_sum3A_767 [0] : vector<896x896xf32> to vector<896xf32>
    %broadcast_in_dim3A_769 = vector.shape_cast %reduce_sum3A_768 : vector<896xf32> to vector<1x896xf32>
    %div3A_770 = vector.broadcast %broadcast_in_dim3A_769 : vector<1x896xf32> to vector<896x896xf32>
    %div3A_771 = arith.divf %select_n3A_766, %div3A_770 : vector<896x896xf32>
    %jit3A_772 = arith.constant 0.000000e+00 : f32
    %broadcast_in_dim3A_773 = vector.broadcast %jit3A_772 : f32 to vector<896x896xf32>
    %select_n3A_774 = arith.select %eq3A, %div3A_771, %broadcast_in_dim3A_773 : vector<896x896xi1>, vector<896x896xf32>
    %reduce_sum3A_775 = arith.constant dense<0.000000e+00> : vector<896xf32>
    %reduce_sum3A_776 = vector.multi_reduction <add>, %select_n3A_774, %reduce_sum3A_775 [1] : vector<896x896xf32> to vector<896xf32>
    %broadcast_in_dim3A_777 = vector.shape_cast %reduce_sum3A_776 : vector<896xf32> to vector<896x1xf32>
    %mul3A_778 = vector.broadcast %broadcast_in_dim3A_777 : vector<896x1xf32> to vector<896x384xf32>
    %mul3A_779 = arith.mulf %mul3A_778, %add3A_637 : vector<896x384xf32>
    %mul3A_780 = arith.mulf %neg3A_14, %div3A_771 : vector<896x896xf32>
    %dot_general3A_781 = arith.constant dense<0.000000e+00> : vector<896x384xf32>
    %dot_general3A_782 = tpu.matmul %mul3A_780, %mul3A_779, %dot_general3A_781 {dimension_numbers = #tpu.dot_dimension_numbers<[1], [0], [0], [1], [0, 0, 1, 1], [], []>, transpose_lhs_hint = false} : vector<896x896xf32>, vector<896x384xf32>, vector<896x384xf32> -> vector<896x384xf32>
    %dot_general3A_783 = arith.constant dense<0.000000e+00> : vector<896x384xf32>
    %dot_general3A_784 = tpu.matmul %neg3A_14, %dot_general3A_782, %dot_general3A_783 {dimension_numbers = #tpu.dot_dimension_numbers<[1], [0], [0], [1], [0, 0, 1, 1], [], []>, transpose_lhs_hint = false} : vector<896x896xf32>, vector<896x384xf32>, vector<896x384xf32> -> vector<896x384xf32>
    %mul3A_785 = arith.constant 2.000000e+00 : f32
    %mul3A_786 = vector.broadcast %mul3A_785 : f32 to vector<896x384xf32>
    %mul3A_787 = arith.mulf %mul3A_786, %dot_general3A_784 : vector<896x384xf32>
    %sub3A_788 = arith.subf %mul3A_787, %mul3A_779 : vector<896x384xf32>
    %dot_general3A_789 = arith.constant dense<0.000000e+00> : vector<896x384xf32>
    %dot_general3A_790 = tpu.matmul %mul3A_779, %select_n3A_88, %dot_general3A_789 {dimension_numbers = #tpu.dot_dimension_numbers<[1], [0], [0], [1], [0, 0, 1, 1], [], []>, transpose_lhs_hint = false} : vector<896x384xf32>, vector<384x384xf32>, vector<896x384xf32> -> vector<896x384xf32>
    %dot_general3A_791 = arith.constant dense<0.000000e+00> : vector<896x384xf32>
    %dot_general3A_792 = tpu.matmul %dot_general3A_782, %select_n3A_97, %dot_general3A_791 {dimension_numbers = #tpu.dot_dimension_numbers<[1], [0], [0], [1], [0, 0, 1, 1], [], []>, transpose_lhs_hint = false} : vector<896x384xf32>, vector<384x384xf32>, vector<896x384xf32> -> vector<896x384xf32>
    %add3A_793 = arith.addf %dot_general3A_790, %dot_general3A_792 : vector<896x384xf32>
    %dot_general3A_794 = arith.constant dense<0.000000e+00> : vector<896x384xf32>
    %dot_general3A_795 = tpu.matmul %sub3A_788, %select_n3A_106, %dot_general3A_794 {dimension_numbers = #tpu.dot_dimension_numbers<[1], [0], [0], [1], [0, 0, 1, 1], [], []>, transpose_lhs_hint = false} : vector<896x384xf32>, vector<384x384xf32>, vector<896x384xf32> -> vector<896x384xf32>
    %add3A_796 = arith.addf %add3A_793, %dot_general3A_795 : vector<896x384xf32>
    %add3A_797 = vector.broadcast %concatenate3A_460 : vector<1x384xf32> to vector<896x384xf32>
    %add3A_798 = arith.addf %add3A_796, %add3A_797 : vector<896x384xf32>
    %max3A_799 = arith.constant 0.000000e+00 : f32
    %max3A_800 = vector.broadcast %max3A_799 : f32 to vector<896x384xf32>
    %max3A_801 = arith.maximumf %add3A_798, %max3A_800 : vector<896x384xf32>
    %dot_general3A_802 = arith.constant dense<0.000000e+00> : vector<896x384xf32>
    %dot_general3A_803 = tpu.matmul %max3A_801, %add3A_146, %dot_general3A_802 {dimension_numbers = #tpu.dot_dimension_numbers<[1], [0], [0], [1], [0, 0, 1, 1], [], []>, transpose_lhs_hint = false} : vector<896x384xf32>, vector<384x384xf32>, vector<896x384xf32> -> vector<896x384xf32>
    %add3A_804 = vector.broadcast %concatenate3A_464 : vector<1x384xf32> to vector<896x384xf32>
    %add3A_805 = arith.addf %dot_general3A_803, %add3A_804 : vector<896x384xf32>
    %dot_general3A_806 = arith.constant dense<0.000000e+00> : vector<896x384xf32>
    %dot_general3A_807 = tpu.matmul %add3A_637, %select_n3A_153, %dot_general3A_806 {dimension_numbers = #tpu.dot_dimension_numbers<[1], [0], [0], [1], [0, 0, 1, 1], [], []>, transpose_lhs_hint = false} : vector<896x384xf32>, vector<384x384xf32>, vector<896x384xf32> -> vector<896x384xf32>
    %add3A_808 = arith.addf %add3A_805, %dot_general3A_807 : vector<896x384xf32>
    %add3A_809 = vector.broadcast %concatenate3A_468 : vector<1x384xf32> to vector<896x384xf32>
    %add3A_810 = arith.addf %add3A_808, %add3A_809 : vector<896x384xf32>
    %max3A_811 = arith.constant 0.000000e+00 : f32
    %max3A_812 = vector.broadcast %max3A_811 : f32 to vector<896x384xf32>
    %max3A_813 = arith.maximumf %add3A_810, %max3A_812 : vector<896x384xf32>
    %dot_general3A_814 = arith.constant dense<0.000000e+00> : vector<896x384xf32>
    %dot_general3A_815 = tpu.matmul %max3A_813, %select_n3A_80, %dot_general3A_814 {dimension_numbers = #tpu.dot_dimension_numbers<[1], [0], [0], [1], [0, 0, 1, 1], [], []>, transpose_lhs_hint = false} : vector<896x384xf32>, vector<384x384xf32>, vector<896x384xf32> -> vector<896x384xf32>
    %sub3A_816 = arith.subf %max3A_813, %dot_general3A_815 : vector<896x384xf32>
    %mul3A_817 = arith.mulf %sub3A_816, %sub3A_816 : vector<896x384xf32>
    %dot_general3A_818 = arith.constant dense<0.000000e+00> : vector<896x384xf32>
    %dot_general3A_819 = tpu.matmul %mul3A_817, %select_n3A_80, %dot_general3A_818 {dimension_numbers = #tpu.dot_dimension_numbers<[1], [0], [0], [1], [0, 0, 1, 1], [], []>, transpose_lhs_hint = false} : vector<896x384xf32>, vector<384x384xf32>, vector<896x384xf32> -> vector<896x384xf32>
    %add3A_820 = arith.constant 9.99999974E-6 : f32
    %add3A_821 = vector.broadcast %add3A_820 : f32 to vector<896x384xf32>
    %add3A_822 = arith.addf %dot_general3A_819, %add3A_821 : vector<896x384xf32>
    %rsqrt3A_823 = math.rsqrt %add3A_822 : vector<896x384xf32>
    %mul3A_824 = arith.mulf %sub3A_816, %rsqrt3A_823 : vector<896x384xf32>
    %mul3A_825 = vector.broadcast %concatenate3A_472 : vector<1x384xf32> to vector<896x384xf32>
    %mul3A_826 = arith.mulf %mul3A_824, %mul3A_825 : vector<896x384xf32>
    %add3A_827 = vector.broadcast %concatenate3A_476 : vector<1x384xf32> to vector<896x384xf32>
    %add3A_828 = arith.addf %mul3A_826, %add3A_827 : vector<896x384xf32>
    %get3A_829 = arith.constant 0 : index
    %get3A_830 = arith.constant 0 : index
    %get3A_831 = vector.load %arg38[%get3A_829, %get3A_830] : memref<384x12xf32, #tpu.memory_space<vmem>>, vector<384x12xf32>
    %dot_general3A_832 = arith.constant dense<0.000000e+00> : vector<896x12xf32>
    %dot_general3A_833 = tpu.matmul %add3A_828, %get3A_831, %dot_general3A_832 {dimension_numbers = #tpu.dot_dimension_numbers<[1], [0], [0], [1], [0, 0, 1, 1], [], []>, transpose_lhs_hint = false} : vector<896x384xf32>, vector<384x12xf32>, vector<896x12xf32> -> vector<896x12xf32>
    %get3A_834 = arith.constant 0 : index
    %get3A_835 = arith.constant 0 : index
    %get3A_836 = vector.load %arg39[%get3A_834, %get3A_835] : memref<1x12xf32, #tpu.memory_space<vmem>>, vector<1x12xf32>
    %add3A_837 = vector.broadcast %get3A_836 : vector<1x12xf32> to vector<896x12xf32>
    %add3A_838 = arith.addf %dot_general3A_833, %add3A_837 : vector<896x12xf32>
    %max3A_839 = arith.constant 0.000000e+00 : f32
    %max3A_840 = vector.broadcast %max3A_839 : f32 to vector<896x12xf32>
    %max3A_841 = arith.maximumf %add3A_838, %max3A_840 : vector<896x12xf32>
    %swap3A = arith.constant 0 : index
    %swap3A_842 = arith.constant 0 : index
    %swap3A_843 = arith.constant 0 : index
    %swap3A_844 = vector.load %arg40[%swap3A, %swap3A_842, %swap3A_843] : memref<2x896x12xf32, #tpu.memory_space<vmem>>, vector<1x896x12xf32>
    %swap3A_845 = vector.shape_cast %swap3A_844 : vector<1x896x12xf32> to vector<896x12xf32>
    %swap3A_846 = vector.shape_cast %max3A_841 : vector<896x12xf32> to vector<1x896x12xf32>
    tpu.vector_store %arg40[%swap3A, %swap3A_842, %swap3A_843], %swap3A_846 {strides = array<i32>} : memref<2x896x12xf32, #tpu.memory_space<vmem>>, vector<1x896x12xf32>,
    %get3A_847 = arith.constant 1 : index
    %get3A_848 = arith.constant 0 : index
    %get3A_849 = arith.constant 0 : index
    %get3A_850 = vector.load %arg1[%get3A_847, %get3A_848, %get3A_849] : memref<2x896x12xf32, #tpu.memory_space<vmem>>, vector<1x896x12xf32>
    %get3A_851 = vector.shape_cast %get3A_850 : vector<1x896x12xf32> to vector<896x12xf32>
    %get3A_852 = arith.constant 0 : index
    %get3A_853 = arith.constant 0 : index
    %get3A_854 = vector.load %arg2[%get3A_852, %get3A_853] : memref<1x896xf32, #tpu.memory_space<vmem>>, vector<1x896xf32>
    %dot_general3A_855 = arith.constant dense<0.000000e+00> : vector<1x12xf32>
    %dot_general3A_856 = tpu.matmul %get3A_854, %get3A_851, %dot_general3A_855 {dimension_numbers = #tpu.dot_dimension_numbers<[1], [0], [0], [1], [0, 0, 1, 1], [], []>, transpose_lhs_hint = false} : vector<1x896xf32>, vector<896x12xf32>, vector<1x12xf32> -> vector<1x12xf32>
    %get3A_857 = arith.constant 0 : index
    %get3A_858 = arith.constant 0 : index
    %get3A_859 = vector.load %arg4[%get3A_857, %get3A_858] : memref<1x1xf32, #tpu.memory_space<vmem>>, vector<1x1xf32>
    %mul3A_860 = vector.broadcast %get3A_859 : vector<1x1xf32> to vector<896x12xf32>
    %mul3A_861 = arith.mulf %mul3A_860, %get3A_851 : vector<896x12xf32>
    %get3A_862 = arith.constant 0 : index
    %get3A_863 = arith.constant 0 : index
    %get3A_864 = vector.load %arg3[%get3A_862, %get3A_863] : memref<1x896xf32, #tpu.memory_space<vmem>>, vector<1x896xf32>
    %dot_general3A_865 = arith.constant dense<0.000000e+00> : vector<1x12xf32>
    %dot_general3A_866 = tpu.matmul %get3A_864, %mul3A_861, %dot_general3A_865 {dimension_numbers = #tpu.dot_dimension_numbers<[1], [0], [0], [1], [0, 0, 1, 1], [], []>, transpose_lhs_hint = false} : vector<1x896xf32>, vector<896x12xf32>, vector<1x12xf32> -> vector<1x12xf32>
    %dot_general3A_867 = arith.constant dense<0.000000e+00> : vector<12x12xf32>
    %dot_general3A_868 = tpu.matmul %dot_general3A_856, %dot_general3A_866, %dot_general3A_867 {dimension_numbers = #tpu.dot_dimension_numbers<[0], [0], [1], [1], [0, 1, 1, 1], [], []>, transpose_lhs_hint = false} : vector<1x12xf32>, vector<1x12xf32>, vector<12x12xf32> -> vector<12x12xf32>
    %get3A_869 = arith.constant 0 : index
    %get3A_870 = arith.constant 0 : index
    %get3A_871 = vector.load %arg6[%get3A_869, %get3A_870] : memref<12x12xf32, #tpu.memory_space<vmem>>, vector<12x12xf32>
    %get3A_872 = arith.constant 0 : index
    %get3A_873 = arith.constant 0 : index
    %get3A_874 = vector.load %arg5[%get3A_872, %get3A_873] : memref<12x12xf32, #tpu.memory_space<vmem>>, vector<12x12xf32>
    %add3A_875 = arith.addf %dot_general3A_868, %get3A_874 : vector<12x12xf32>
    %neg3A_876 = arith.constant 0.000000e+00 : f32
    %neg3A_877 = vector.broadcast %neg3A_876 : f32 to vector<12x12xf32>
    %neg3A_878 = arith.subf %neg3A_877, %add3A_875 : vector<12x12xf32>
    %exp3A_879 = math.exp %neg3A_878 : vector<12x12xf32>
    %add3A_880 = arith.constant 1.000000e+00 : f32
    %add3A_881 = vector.broadcast %add3A_880 : f32 to vector<12x12xf32>
    %add3A_882 = arith.addf %add3A_881, %exp3A_879 : vector<12x12xf32>
    %div3A_883 = arith.constant 1.000000e+00 : f32
    %div3A_884 = vector.broadcast %div3A_883 : f32 to vector<12x12xf32>
    %div3A_885 = arith.divf %div3A_884, %add3A_882 : vector<12x12xf32>
    %dot_general3A_886 = arith.constant dense<0.000000e+00> : vector<12x12xf32>
    %dot_general3A_887 = tpu.matmul %get3A_871, %div3A_885, %dot_general3A_886 {dimension_numbers = #tpu.dot_dimension_numbers<[1], [0], [0], [1], [0, 0, 1, 1], [], []>, transpose_lhs_hint = false} : vector<12x12xf32>, vector<12x12xf32>, vector<12x12xf32> -> vector<12x12xf32>
    %reduce_max3A_888 = arith.constant dense<0xFF800000> : vector<12xf32>
    %reduce_max3A_889 = vector.multi_reduction <maximumf>, %dot_general3A_887, %reduce_max3A_888 [0] : vector<12x12xf32> to vector<12xf32>
    %broadcast_in_dim3A_890 = vector.shape_cast %reduce_max3A_889 : vector<12xf32> to vector<1x12xf32>
    %sub3A_891 = vector.broadcast %broadcast_in_dim3A_890 : vector<1x12xf32> to vector<12x12xf32>
    %sub3A_892 = arith.subf %dot_general3A_887, %sub3A_891 : vector<12x12xf32>
    %exp3A_893 = math.exp %sub3A_892 : vector<12x12xf32>
    %reduce_sum3A_894 = arith.constant dense<0.000000e+00> : vector<12xf32>
    %reduce_sum3A_895 = vector.multi_reduction <add>, %exp3A_893, %reduce_sum3A_894 [0] : vector<12x12xf32> to vector<12xf32>
    %broadcast_in_dim3A_896 = vector.shape_cast %reduce_sum3A_895 : vector<12xf32> to vector<1x12xf32>
    %div3A_897 = vector.broadcast %broadcast_in_dim3A_896 : vector<1x12xf32> to vector<12x12xf32>
    %div3A_898 = arith.divf %exp3A_893, %div3A_897 : vector<12x12xf32>
    %dot_general3A_899 = arith.constant dense<0.000000e+00> : vector<896x12xf32>
    %dot_general3A_900 = tpu.matmul %get3A_851, %div3A_898, %dot_general3A_899 {dimension_numbers = #tpu.dot_dimension_numbers<[1], [0], [0], [1], [0, 0, 1, 1], [], []>, transpose_lhs_hint = false} : vector<896x12xf32>, vector<12x12xf32>, vector<896x12xf32> -> vector<896x12xf32>
    %get3A_901 = arith.constant 0 : index
    %get3A_902 = arith.constant 0 : index
    %get3A_903 = vector.load %arg7[%get3A_901, %get3A_902] : memref<12x1xf32, #tpu.memory_space<vmem>>, vector<12x1xf32>
    %dot_general3A_904 = arith.constant dense<0.000000e+00> : vector<896x1xf32>
    %dot_general3A_905 = tpu.matmul %dot_general3A_900, %get3A_903, %dot_general3A_904 {dimension_numbers = #tpu.dot_dimension_numbers<[1], [0], [0], [1], [0, 0, 1, 1], [], []>, transpose_lhs_hint = false} : vector<896x12xf32>, vector<12x1xf32>, vector<896x1xf32> -> vector<896x1xf32>
    %get3A_906 = arith.constant 0 : index
    %get3A_907 = arith.constant 0 : index
    %get3A_908 = vector.load %arg8[%get3A_906, %get3A_907] : memref<1x12xf32, #tpu.memory_space<vmem>>, vector<1x12xf32>
    %dot_general3A_909 = arith.constant dense<0.000000e+00> : vector<896x12xf32>
    %dot_general3A_910 = tpu.matmul %dot_general3A_905, %get3A_908, %dot_general3A_909 {dimension_numbers = #tpu.dot_dimension_numbers<[1], [0], [0], [1], [0, 0, 1, 1], [], []>, transpose_lhs_hint = false} : vector<896x1xf32>, vector<1x12xf32>, vector<896x12xf32> -> vector<896x12xf32>
    %get3A_911 = arith.constant 0 : index
    %get3A_912 = arith.constant 0 : index
    %get3A_913 = vector.load %arg9[%get3A_911, %get3A_912] : memref<1x1xf32, #tpu.memory_space<vmem>>, vector<1x1xf32>
    %mul3A_914 = vector.broadcast %get3A_913 : vector<1x1xf32> to vector<896x12xf32>
    %mul3A_915 = arith.mulf %mul3A_914, %dot_general3A_900 : vector<896x12xf32>
    %dot_general3A_916 = arith.constant dense<0.000000e+00> : vector<896x896xf32>
    %dot_general3A_917 = tpu.matmul %dot_general3A_910, %mul3A_915, %dot_general3A_916 {dimension_numbers = #tpu.dot_dimension_numbers<[1], [1], [0], [0], [0, 0, 1, 0], [], []>, transpose_lhs_hint = false} : vector<896x12xf32>, vector<896x12xf32>, vector<896x896xf32> -> vector<896x896xf32>
    %get3A_918 = arith.constant 0 : index
    %get3A_919 = arith.constant 0 : index
    %get3A_920 = vector.load %arg10[%get3A_918, %get3A_919] : memref<896x896xf32, #tpu.memory_space<vmem>>, vector<896x896xf32>
    %add3A_921 = arith.addf %dot_general3A_917, %get3A_920 : vector<896x896xf32>
    %get3A_922 = arith.constant 0 : index
    %get3A_923 = arith.constant 0 : index
    %get3A_924 = vector.load %arg11[%get3A_922, %get3A_923] : memref<896x896xf32, #tpu.memory_space<vmem>>, vector<896x896xf32>
    %neg3A_925 = arith.constant 0.000000e+00 : f32
    %neg3A_926 = vector.broadcast %neg3A_925 : f32 to vector<896x896xf32>
    %neg3A_927 = arith.subf %neg3A_926, %add3A_921 : vector<896x896xf32>
    %exp3A_928 = math.exp %neg3A_927 : vector<896x896xf32>
    %add3A_929 = arith.constant 1.000000e+00 : f32
    %add3A_930 = vector.broadcast %add3A_929 : f32 to vector<896x896xf32>
    %add3A_931 = arith.addf %add3A_930, %exp3A_928 : vector<896x896xf32>
    %div3A_932 = arith.constant 1.000000e+00 : f32
    %div3A_933 = vector.broadcast %div3A_932 : f32 to vector<896x896xf32>
    %div3A_934 = arith.divf %div3A_933, %add3A_931 : vector<896x896xf32>
    %dot_general3A_935 = arith.constant dense<0.000000e+00> : vector<896x896xf32>
    %dot_general3A_936 = tpu.matmul %get3A_924, %div3A_934, %dot_general3A_935 {dimension_numbers = #tpu.dot_dimension_numbers<[1], [0], [0], [1], [0, 0, 1, 1], [], []>, transpose_lhs_hint = false} : vector<896x896xf32>, vector<896x896xf32>, vector<896x896xf32> -> vector<896x896xf32>
    %jit3A_937 = arith.constant -1.000000e+30 : f32
    %broadcast_in_dim3A_938 = vector.shape_cast %lt3A_1 : vector<896x1xi1> to vector<896x1xi1>
    %broadcast_in_dim3A_939 = vector.broadcast %broadcast_in_dim3A_938 : vector<896x1xi1> to vector<896x896xi1>
    %broadcast_in_dim3A_940 = vector.broadcast %jit3A_937 : f32 to vector<896x896xf32>
    %select_n3A_941 = arith.select %broadcast_in_dim3A_939, %dot_general3A_936, %broadcast_in_dim3A_940 : vector<896x896xi1>, vector<896x896xf32>
    %reduce_max3A_942 = arith.constant dense<0xFF800000> : vector<896xf32>
    %reduce_max3A_943 = vector.multi_reduction <maximumf>, %select_n3A_941, %reduce_max3A_942 [0] : vector<896x896xf32> to vector<896xf32>
    %broadcast_in_dim3A_944 = vector.shape_cast %reduce_max3A_943 : vector<896xf32> to vector<1x896xf32>
    %sub3A_945 = vector.broadcast %broadcast_in_dim3A_944 : vector<1x896xf32> to vector<896x896xf32>
    %sub3A_946 = arith.subf %select_n3A_941, %sub3A_945 : vector<896x896xf32>
    %exp3A_947 = math.exp %sub3A_946 : vector<896x896xf32>
    %jit3A_948 = arith.constant 0.000000e+00 : f32
    %broadcast_in_dim3A_949 = vector.shape_cast %lt3A_1 : vector<896x1xi1> to vector<896x1xi1>
    %broadcast_in_dim3A_950 = vector.broadcast %broadcast_in_dim3A_949 : vector<896x1xi1> to vector<896x896xi1>
    %broadcast_in_dim3A_951 = vector.broadcast %jit3A_948 : f32 to vector<896x896xf32>
    %select_n3A_952 = arith.select %broadcast_in_dim3A_950, %exp3A_947, %broadcast_in_dim3A_951 : vector<896x896xi1>, vector<896x896xf32>
    %reduce_sum3A_953 = arith.constant dense<0.000000e+00> : vector<896xf32>
    %reduce_sum3A_954 = vector.multi_reduction <add>, %select_n3A_952, %reduce_sum3A_953 [0] : vector<896x896xf32> to vector<896xf32>
    %broadcast_in_dim3A_955 = vector.shape_cast %reduce_sum3A_954 : vector<896xf32> to vector<1x896xf32>
    %div3A_956 = vector.broadcast %broadcast_in_dim3A_955 : vector<1x896xf32> to vector<896x896xf32>
    %div3A_957 = arith.divf %select_n3A_952, %div3A_956 : vector<896x896xf32>
    %jit3A_958 = arith.constant 0.000000e+00 : f32
    %broadcast_in_dim3A_959 = vector.broadcast %jit3A_958 : f32 to vector<896x896xf32>
    %select_n3A_960 = arith.select %eq3A, %div3A_957, %broadcast_in_dim3A_959 : vector<896x896xi1>, vector<896x896xf32>
    %reduce_sum3A_961 = arith.constant dense<0.000000e+00> : vector<896xf32>
    %reduce_sum3A_962 = vector.multi_reduction <add>, %select_n3A_960, %reduce_sum3A_961 [1] : vector<896x896xf32> to vector<896xf32>
    %broadcast_in_dim3A_963 = vector.shape_cast %reduce_sum3A_962 : vector<896xf32> to vector<896x1xf32>
    %mul3A_964 = vector.broadcast %broadcast_in_dim3A_963 : vector<896x1xf32> to vector<896x12xf32>
    %mul3A_965 = arith.mulf %mul3A_964, %get3A_851 : vector<896x12xf32>
    %mul3A_966 = arith.mulf %neg3A_14, %div3A_957 : vector<896x896xf32>
    %dot_general3A_967 = arith.constant dense<0.000000e+00> : vector<896x12xf32>
    %dot_general3A_968 = tpu.matmul %mul3A_966, %mul3A_965, %dot_general3A_967 {dimension_numbers = #tpu.dot_dimension_numbers<[1], [0], [0], [1], [0, 0, 1, 1], [], []>, transpose_lhs_hint = false} : vector<896x896xf32>, vector<896x12xf32>, vector<896x12xf32> -> vector<896x12xf32>
    %dot_general3A_969 = arith.constant dense<0.000000e+00> : vector<896x12xf32>
    %dot_general3A_970 = tpu.matmul %neg3A_14, %dot_general3A_968, %dot_general3A_969 {dimension_numbers = #tpu.dot_dimension_numbers<[1], [0], [0], [1], [0, 0, 1, 1], [], []>, transpose_lhs_hint = false} : vector<896x896xf32>, vector<896x12xf32>, vector<896x12xf32> -> vector<896x12xf32>
    %mul3A_971 = arith.constant 2.000000e+00 : f32
    %mul3A_972 = vector.broadcast %mul3A_971 : f32 to vector<896x12xf32>
    %mul3A_973 = arith.mulf %mul3A_972, %dot_general3A_970 : vector<896x12xf32>
    %sub3A_974 = arith.subf %mul3A_973, %mul3A_965 : vector<896x12xf32>
    %concatenate3A_975 = tpu.concatenate %mul3A_965, %dot_general3A_968, %sub3A_974 in 1 : vector<896x12xf32>, vector<896x12xf32>, vector<896x12xf32> -> vector<896x36xf32>
    %dot_general3A_976 = arith.constant dense<0.000000e+00> : vector<896x768xf32>
    %dot_general3A_977 = tpu.matmul %concatenate3A_975, %concatenate3A_217, %dot_general3A_976 {dimension_numbers = #tpu.dot_dimension_numbers<[1], [0], [0], [1], [0, 0, 1, 1], [], []>, transpose_lhs_hint = false} : vector<896x36xf32>, vector<36x768xf32>, vector<896x768xf32> -> vector<896x768xf32>
    %add3A_978 = vector.broadcast %concatenate3A_440 : vector<1x768xf32> to vector<896x768xf32>
    %add3A_979 = arith.addf %dot_general3A_977, %add3A_978 : vector<896x768xf32>
    %max3A_980 = arith.constant 0.000000e+00 : f32
    %max3A_981 = vector.broadcast %max3A_980 : f32 to vector<896x768xf32>
    %max3A_982 = arith.maximumf %add3A_979, %max3A_981 : vector<896x768xf32>
    %dot_general3A_983 = arith.constant dense<0.000000e+00> : vector<896x384xf32>
    %dot_general3A_984 = tpu.matmul %max3A_982, %add3A_333, %dot_general3A_983 {dimension_numbers = #tpu.dot_dimension_numbers<[1], [0], [0], [1], [0, 0, 1, 1], [], []>, transpose_lhs_hint = false} : vector<896x768xf32>, vector<768x384xf32>, vector<896x384xf32> -> vector<896x384xf32>
    %add3A_985 = vector.broadcast %concatenate3A_444 : vector<1x384xf32> to vector<896x384xf32>
    %add3A_986 = arith.addf %dot_general3A_984, %add3A_985 : vector<896x384xf32>
    %dot_general3A_987 = arith.constant dense<0.000000e+00> : vector<896x384xf32>
    %dot_general3A_988 = tpu.matmul %get3A_851, %select_n3A_379, %dot_general3A_987 {dimension_numbers = #tpu.dot_dimension_numbers<[1], [0], [0], [1], [0, 0, 1, 1], [], []>, transpose_lhs_hint = false} : vector<896x12xf32>, vector<12x384xf32>, vector<896x384xf32> -> vector<896x384xf32>
    %add3A_989 = arith.addf %add3A_986, %dot_general3A_988 : vector<896x384xf32>
    %add3A_990 = vector.broadcast %concatenate3A_448 : vector<1x384xf32> to vector<896x384xf32>
    %add3A_991 = arith.addf %add3A_989, %add3A_990 : vector<896x384xf32>
    %max3A_992 = arith.constant 0.000000e+00 : f32
    %max3A_993 = vector.broadcast %max3A_992 : f32 to vector<896x384xf32>
    %max3A_994 = arith.maximumf %add3A_991, %max3A_993 : vector<896x384xf32>
    %dot_general3A_995 = arith.constant dense<0.000000e+00> : vector<896x384xf32>
    %dot_general3A_996 = tpu.matmul %max3A_994, %select_n3A_80, %dot_general3A_995 {dimension_numbers = #tpu.dot_dimension_numbers<[1], [0], [0], [1], [0, 0, 1, 1], [], []>, transpose_lhs_hint = false} : vector<896x384xf32>, vector<384x384xf32>, vector<896x384xf32> -> vector<896x384xf32>
    %sub3A_997 = arith.subf %max3A_994, %dot_general3A_996 : vector<896x384xf32>
    %mul3A_998 = arith.mulf %sub3A_997, %sub3A_997 : vector<896x384xf32>
    %dot_general3A_999 = arith.constant dense<0.000000e+00> : vector<896x384xf32>
    %dot_general3A_1000 = tpu.matmul %mul3A_998, %select_n3A_80, %dot_general3A_999 {dimension_numbers = #tpu.dot_dimension_numbers<[1], [0], [0], [1], [0, 0, 1, 1], [], []>, transpose_lhs_hint = false} : vector<896x384xf32>, vector<384x384xf32>, vector<896x384xf32> -> vector<896x384xf32>
    %add3A_1001 = arith.constant 9.99999974E-6 : f32
    %add3A_1002 = vector.broadcast %add3A_1001 : f32 to vector<896x384xf32>
    %add3A_1003 = arith.addf %dot_general3A_1000, %add3A_1002 : vector<896x384xf32>
    %rsqrt3A_1004 = math.rsqrt %add3A_1003 : vector<896x384xf32>
    %mul3A_1005 = arith.mulf %sub3A_997, %rsqrt3A_1004 : vector<896x384xf32>
    %mul3A_1006 = vector.broadcast %concatenate3A_452 : vector<1x384xf32> to vector<896x384xf32>
    %mul3A_1007 = arith.mulf %mul3A_1005, %mul3A_1006 : vector<896x384xf32>
    %add3A_1008 = vector.broadcast %concatenate3A_456 : vector<1x384xf32> to vector<896x384xf32>
    %add3A_1009 = arith.addf %mul3A_1007, %add3A_1008 : vector<896x384xf32>
    %get3A_1010 = arith.constant 0 : index
    %get3A_1011 = arith.constant 0 : index
    %get3A_1012 = vector.load %arg20[%get3A_1010, %get3A_1011] : memref<1x896xf32, #tpu.memory_space<vmem>>, vector<1x896xf32>
    %dot_general3A_1013 = arith.constant dense<0.000000e+00> : vector<1x384xf32>
    %dot_general3A_1014 = tpu.matmul %get3A_1012, %add3A_1009, %dot_general3A_1013 {dimension_numbers = #tpu.dot_dimension_numbers<[1], [0], [0], [1], [0, 0, 1, 1], [], []>, transpose_lhs_hint = false} : vector<1x896xf32>, vector<896x384xf32>, vector<1x384xf32> -> vector<1x384xf32>
    %dot_general3A_1015 = arith.constant dense<0.000000e+00> : vector<896x6xf32>
    %dot_general3A_1016 = tpu.matmul %add3A_1009, %select_n3A_422, %dot_general3A_1015 {dimension_numbers = #tpu.dot_dimension_numbers<[1], [0], [0], [1], [0, 0, 1, 1], [], []>, transpose_lhs_hint = false} : vector<896x384xf32>, vector<384x6xf32>, vector<896x6xf32> -> vector<896x6xf32>
    %get3A_1017 = arith.constant 0 : index
    %get3A_1018 = arith.constant 0 : index
    %get3A_1019 = vector.load %arg21[%get3A_1017, %get3A_1018] : memref<64x896xf32, #tpu.memory_space<vmem>>, vector<64x896xf32>
    %dot_general3A_1020 = arith.constant dense<0.000000e+00> : vector<64x6xf32>
    %dot_general3A_1021 = tpu.matmul %get3A_1019, %dot_general3A_1016, %dot_general3A_1020 {dimension_numbers = #tpu.dot_dimension_numbers<[1], [0], [0], [1], [0, 0, 1, 1], [], []>, transpose_lhs_hint = false} : vector<64x896xf32>, vector<896x6xf32>, vector<64x6xf32> -> vector<64x6xf32>
    %slice3A_1022 = vector.extract_strided_slice %dot_general3A_1014 {offsets = [0, 0], sizes = [1, 64], strides = [1, 1]} : vector<1x384xf32> to vector<1x64xf32>
    %dot_general3A_1023 = arith.constant dense<0.000000e+00> : vector<1x6xf32>
    %dot_general3A_1024 = tpu.matmul %slice3A_1022, %dot_general3A_1021, %dot_general3A_1023 {dimension_numbers = #tpu.dot_dimension_numbers<[1], [0], [0], [1], [0, 0, 1, 1], [], []>, transpose_lhs_hint = false} : vector<1x64xf32>, vector<64x6xf32>, vector<1x6xf32> -> vector<1x6xf32>
    %slice3A_1025 = vector.extract_strided_slice %dot_general3A_1014 {offsets = [0, 64], sizes = [1, 64], strides = [1, 1]} : vector<1x384xf32> to vector<1x64xf32>
    %dot_general3A_1026 = arith.constant dense<0.000000e+00> : vector<1x6xf32>
    %dot_general3A_1027 = tpu.matmul %slice3A_1025, %dot_general3A_1021, %dot_general3A_1026 {dimension_numbers = #tpu.dot_dimension_numbers<[1], [0], [0], [1], [0, 0, 1, 1], [], []>, transpose_lhs_hint = false} : vector<1x64xf32>, vector<64x6xf32>, vector<1x6xf32> -> vector<1x6xf32>
    %slice3A_1028 = vector.extract_strided_slice %dot_general3A_1014 {offsets = [0, 128], sizes = [1, 64], strides = [1, 1]} : vector<1x384xf32> to vector<1x64xf32>
    %dot_general3A_1029 = arith.constant dense<0.000000e+00> : vector<1x6xf32>
    %dot_general3A_1030 = tpu.matmul %slice3A_1028, %dot_general3A_1021, %dot_general3A_1029 {dimension_numbers = #tpu.dot_dimension_numbers<[1], [0], [0], [1], [0, 0, 1, 1], [], []>, transpose_lhs_hint = false} : vector<1x64xf32>, vector<64x6xf32>, vector<1x6xf32> -> vector<1x6xf32>
    %slice3A_1031 = vector.extract_strided_slice %dot_general3A_1014 {offsets = [0, 192], sizes = [1, 64], strides = [1, 1]} : vector<1x384xf32> to vector<1x64xf32>
    %dot_general3A_1032 = arith.constant dense<0.000000e+00> : vector<1x6xf32>
    %dot_general3A_1033 = tpu.matmul %slice3A_1031, %dot_general3A_1021, %dot_general3A_1032 {dimension_numbers = #tpu.dot_dimension_numbers<[1], [0], [0], [1], [0, 0, 1, 1], [], []>, transpose_lhs_hint = false} : vector<1x64xf32>, vector<64x6xf32>, vector<1x6xf32> -> vector<1x6xf32>
    %slice3A_1034 = vector.extract_strided_slice %dot_general3A_1014 {offsets = [0, 256], sizes = [1, 64], strides = [1, 1]} : vector<1x384xf32> to vector<1x64xf32>
    %dot_general3A_1035 = arith.constant dense<0.000000e+00> : vector<1x6xf32>
    %dot_general3A_1036 = tpu.matmul %slice3A_1034, %dot_general3A_1021, %dot_general3A_1035 {dimension_numbers = #tpu.dot_dimension_numbers<[1], [0], [0], [1], [0, 0, 1, 1], [], []>, transpose_lhs_hint = false} : vector<1x64xf32>, vector<64x6xf32>, vector<1x6xf32> -> vector<1x6xf32>
    %slice3A_1037 = vector.extract_strided_slice %dot_general3A_1014 {offsets = [0, 320], sizes = [1, 64], strides = [1, 1]} : vector<1x384xf32> to vector<1x64xf32>
    %dot_general3A_1038 = arith.constant dense<0.000000e+00> : vector<1x6xf32>
    %dot_general3A_1039 = tpu.matmul %slice3A_1037, %dot_general3A_1021, %dot_general3A_1038 {dimension_numbers = #tpu.dot_dimension_numbers<[1], [0], [0], [1], [0, 0, 1, 1], [], []>, transpose_lhs_hint = false} : vector<1x64xf32>, vector<64x6xf32>, vector<1x6xf32> -> vector<1x6xf32>
    %concatenate3A_1040 = tpu.concatenate %dot_general3A_1024, %dot_general3A_1027, %dot_general3A_1030, %dot_general3A_1033, %dot_general3A_1036, %dot_general3A_1039 in 0 : vector<1x6xf32>, vector<1x6xf32>, vector<1x6xf32>, vector<1x6xf32>, vector<1x6xf32>, vector<1x6xf32> -> vector<6x6xf32>
    %get3A_1041 = arith.constant 0 : index
    %get3A_1042 = arith.constant 0 : index
    %get3A_1043 = vector.load %arg24[%get3A_1041, %get3A_1042] : memref<6x6xf32, #tpu.memory_space<vmem>>, vector<6x6xf32>
    %get3A_1044 = arith.constant 0 : index
    %get3A_1045 = arith.constant 0 : index
    %get3A_1046 = vector.load %arg23[%get3A_1044, %get3A_1045] : memref<6x6xf32, #tpu.memory_space<vmem>>, vector<6x6xf32>
    %add3A_1047 = arith.addf %concatenate3A_1040, %get3A_1046 : vector<6x6xf32>
    %neg3A_1048 = arith.constant 0.000000e+00 : f32
    %neg3A_1049 = vector.broadcast %neg3A_1048 : f32 to vector<6x6xf32>
    %neg3A_1050 = arith.subf %neg3A_1049, %add3A_1047 : vector<6x6xf32>
    %exp3A_1051 = math.exp %neg3A_1050 : vector<6x6xf32>
    %add3A_1052 = arith.constant 1.000000e+00 : f32
    %add3A_1053 = vector.broadcast %add3A_1052 : f32 to vector<6x6xf32>
    %add3A_1054 = arith.addf %add3A_1053, %exp3A_1051 : vector<6x6xf32>
    %div3A_1055 = arith.constant 1.000000e+00 : f32
    %div3A_1056 = vector.broadcast %div3A_1055 : f32 to vector<6x6xf32>
    %div3A_1057 = arith.divf %div3A_1056, %add3A_1054 : vector<6x6xf32>
    %dot_general3A_1058 = arith.constant dense<0.000000e+00> : vector<6x6xf32>
    %dot_general3A_1059 = tpu.matmul %get3A_1043, %div3A_1057, %dot_general3A_1058 {dimension_numbers = #tpu.dot_dimension_numbers<[1], [0], [0], [1], [0, 0, 1, 1], [], []>, transpose_lhs_hint = false} : vector<6x6xf32>, vector<6x6xf32>, vector<6x6xf32> -> vector<6x6xf32>
    %reduce_max3A_1060 = arith.constant dense<0xFF800000> : vector<6xf32>
    %reduce_max3A_1061 = vector.multi_reduction <maximumf>, %dot_general3A_1059, %reduce_max3A_1060 [0] : vector<6x6xf32> to vector<6xf32>
    %broadcast_in_dim3A_1062 = vector.shape_cast %reduce_max3A_1061 : vector<6xf32> to vector<1x6xf32>
    %sub3A_1063 = vector.broadcast %broadcast_in_dim3A_1062 : vector<1x6xf32> to vector<6x6xf32>
    %sub3A_1064 = arith.subf %dot_general3A_1059, %sub3A_1063 : vector<6x6xf32>
    %exp3A_1065 = math.exp %sub3A_1064 : vector<6x6xf32>
    %reduce_sum3A_1066 = arith.constant dense<0.000000e+00> : vector<6xf32>
    %reduce_sum3A_1067 = vector.multi_reduction <add>, %exp3A_1065, %reduce_sum3A_1066 [0] : vector<6x6xf32> to vector<6xf32>
    %broadcast_in_dim3A_1068 = vector.shape_cast %reduce_sum3A_1067 : vector<6xf32> to vector<1x6xf32>
    %div3A_1069 = vector.broadcast %broadcast_in_dim3A_1068 : vector<1x6xf32> to vector<6x6xf32>
    %div3A_1070 = arith.divf %exp3A_1065, %div3A_1069 : vector<6x6xf32>
    %get3A_1071 = arith.constant 0 : index
    %get3A_1072 = arith.constant 0 : index
    %get3A_1073 = vector.load %arg25[%get3A_1071, %get3A_1072] : memref<1x6xf32, #tpu.memory_space<vmem>>, vector<1x6xf32>
    %dot_general3A_1074 = arith.constant dense<0.000000e+00> : vector<6x1xf32>
    %dot_general3A_1075 = tpu.matmul %div3A_1070, %get3A_1073, %dot_general3A_1074 {dimension_numbers = #tpu.dot_dimension_numbers<[1], [1], [0], [0], [0, 0, 1, 0], [], []>, transpose_lhs_hint = false} : vector<6x6xf32>, vector<1x6xf32>, vector<6x1xf32> -> vector<6x1xf32>
    %slice3A_1076 = vector.extract_strided_slice %dot_general3A_1075 {offsets = [0, 0], sizes = [1, 1], strides = [1, 1]} : vector<6x1xf32> to vector<1x1xf32>
    %broadcast_in_dim3A_1077 = vector.shape_cast %slice3A_1076 : vector<1x1xf32> to vector<1x1xf32>
    %broadcast_in_dim3A_1078 = vector.broadcast %broadcast_in_dim3A_1077 : vector<1x1xf32> to vector<64x1xf32>
    %slice3A_1079 = vector.extract_strided_slice %dot_general3A_1075 {offsets = [1, 0], sizes = [1, 1], strides = [1, 1]} : vector<6x1xf32> to vector<1x1xf32>
    %broadcast_in_dim3A_1080 = vector.shape_cast %slice3A_1079 : vector<1x1xf32> to vector<1x1xf32>
    %broadcast_in_dim3A_1081 = vector.broadcast %broadcast_in_dim3A_1080 : vector<1x1xf32> to vector<64x1xf32>
    %slice3A_1082 = vector.extract_strided_slice %dot_general3A_1075 {offsets = [2, 0], sizes = [1, 1], strides = [1, 1]} : vector<6x1xf32> to vector<1x1xf32>
    %broadcast_in_dim3A_1083 = vector.shape_cast %slice3A_1082 : vector<1x1xf32> to vector<1x1xf32>
    %broadcast_in_dim3A_1084 = vector.broadcast %broadcast_in_dim3A_1083 : vector<1x1xf32> to vector<64x1xf32>
    %slice3A_1085 = vector.extract_strided_slice %dot_general3A_1075 {offsets = [3, 0], sizes = [1, 1], strides = [1, 1]} : vector<6x1xf32> to vector<1x1xf32>
    %broadcast_in_dim3A_1086 = vector.shape_cast %slice3A_1085 : vector<1x1xf32> to vector<1x1xf32>
    %broadcast_in_dim3A_1087 = vector.broadcast %broadcast_in_dim3A_1086 : vector<1x1xf32> to vector<64x1xf32>
    %slice3A_1088 = vector.extract_strided_slice %dot_general3A_1075 {offsets = [4, 0], sizes = [1, 1], strides = [1, 1]} : vector<6x1xf32> to vector<1x1xf32>
    %broadcast_in_dim3A_1089 = vector.shape_cast %slice3A_1088 : vector<1x1xf32> to vector<1x1xf32>
    %broadcast_in_dim3A_1090 = vector.broadcast %broadcast_in_dim3A_1089 : vector<1x1xf32> to vector<64x1xf32>
    %slice3A_1091 = vector.extract_strided_slice %dot_general3A_1075 {offsets = [5, 0], sizes = [1, 1], strides = [1, 1]} : vector<6x1xf32> to vector<1x1xf32>
    %broadcast_in_dim3A_1092 = vector.shape_cast %slice3A_1091 : vector<1x1xf32> to vector<1x1xf32>
    %broadcast_in_dim3A_1093 = vector.broadcast %broadcast_in_dim3A_1092 : vector<1x1xf32> to vector<64x1xf32>
    %concatenate3A_1094 = tpu.concatenate %broadcast_in_dim3A_1078, %broadcast_in_dim3A_1081, %broadcast_in_dim3A_1084, %broadcast_in_dim3A_1087, %broadcast_in_dim3A_1090, %broadcast_in_dim3A_1093 in 0 : vector<64x1xf32>, vector<64x1xf32>, vector<64x1xf32>, vector<64x1xf32>, vector<64x1xf32>, vector<64x1xf32> -> vector<384x1xf32>
    %mul3A_1095 = vector.broadcast %concatenate3A_1094 : vector<384x1xf32> to vector<384x6xf32>
    %mul3A_1096 = arith.mulf %mul3A_1095, %concatenate3A_436 : vector<384x6xf32>
    %dot_general3A_1097 = arith.constant dense<0.000000e+00> : vector<896x6xf32>
    %dot_general3A_1098 = tpu.matmul %add3A_1009, %mul3A_1096, %dot_general3A_1097 {dimension_numbers = #tpu.dot_dimension_numbers<[1], [0], [0], [1], [0, 0, 1, 1], [], []>, transpose_lhs_hint = false} : vector<896x384xf32>, vector<384x6xf32>, vector<896x6xf32> -> vector<896x6xf32>
    %dot_general3A_1099 = arith.constant dense<0.000000e+00> : vector<896x6xf32>
    %dot_general3A_1100 = tpu.matmul %add3A_1009, %select_n3A_432, %dot_general3A_1099 {dimension_numbers = #tpu.dot_dimension_numbers<[1], [0], [0], [1], [0, 0, 1, 1], [], []>, transpose_lhs_hint = false} : vector<896x384xf32>, vector<384x6xf32>, vector<896x6xf32> -> vector<896x6xf32>
    %dot_general3A_1101 = arith.constant dense<0.000000e+00> : vector<896x6xf32>
    %dot_general3A_1102 = tpu.matmul %dot_general3A_1100, %div3A_1070, %dot_general3A_1101 {dimension_numbers = #tpu.dot_dimension_numbers<[1], [0], [0], [1], [0, 0, 1, 1], [], []>, transpose_lhs_hint = false} : vector<896x6xf32>, vector<6x6xf32>, vector<896x6xf32> -> vector<896x6xf32>
    %dot_general3A_1103 = arith.constant dense<0.000000e+00> : vector<896x896xf32>
    %dot_general3A_1104 = tpu.matmul %dot_general3A_1098, %dot_general3A_1102, %dot_general3A_1103 {dimension_numbers = #tpu.dot_dimension_numbers<[1], [1], [0], [0], [0, 0, 1, 0], [], []>, transpose_lhs_hint = false} : vector<896x6xf32>, vector<896x6xf32>, vector<896x896xf32> -> vector<896x896xf32>
    %get3A_1105 = arith.constant 0 : index
    %get3A_1106 = arith.constant 0 : index
    %get3A_1107 = vector.load %arg28[%get3A_1105, %get3A_1106] : memref<896x896xf32, #tpu.memory_space<vmem>>, vector<896x896xf32>
    %add3A_1108 = arith.addf %dot_general3A_1104, %get3A_1107 : vector<896x896xf32>
    %get3A_1109 = arith.constant 0 : index
    %get3A_1110 = arith.constant 0 : index
    %get3A_1111 = vector.load %arg29[%get3A_1109, %get3A_1110] : memref<896x896xf32, #tpu.memory_space<vmem>>, vector<896x896xf32>
    %neg3A_1112 = arith.constant 0.000000e+00 : f32
    %neg3A_1113 = vector.broadcast %neg3A_1112 : f32 to vector<896x896xf32>
    %neg3A_1114 = arith.subf %neg3A_1113, %add3A_1108 : vector<896x896xf32>
    %exp3A_1115 = math.exp %neg3A_1114 : vector<896x896xf32>
    %add3A_1116 = arith.constant 1.000000e+00 : f32
    %add3A_1117 = vector.broadcast %add3A_1116 : f32 to vector<896x896xf32>
    %add3A_1118 = arith.addf %add3A_1117, %exp3A_1115 : vector<896x896xf32>
    %div3A_1119 = arith.constant 1.000000e+00 : f32
    %div3A_1120 = vector.broadcast %div3A_1119 : f32 to vector<896x896xf32>
    %div3A_1121 = arith.divf %div3A_1120, %add3A_1118 : vector<896x896xf32>
    %dot_general3A_1122 = arith.constant dense<0.000000e+00> : vector<896x896xf32>
    %dot_general3A_1123 = tpu.matmul %get3A_1111, %div3A_1121, %dot_general3A_1122 {dimension_numbers = #tpu.dot_dimension_numbers<[1], [0], [0], [1], [0, 0, 1, 1], [], []>, transpose_lhs_hint = false} : vector<896x896xf32>, vector<896x896xf32>, vector<896x896xf32> -> vector<896x896xf32>
    %jit3A_1124 = arith.constant -1.000000e+30 : f32
    %broadcast_in_dim3A_1125 = vector.shape_cast %lt3A_1 : vector<896x1xi1> to vector<896x1xi1>
    %broadcast_in_dim3A_1126 = vector.broadcast %broadcast_in_dim3A_1125 : vector<896x1xi1> to vector<896x896xi1>
    %broadcast_in_dim3A_1127 = vector.broadcast %jit3A_1124 : f32 to vector<896x896xf32>
    %select_n3A_1128 = arith.select %broadcast_in_dim3A_1126, %dot_general3A_1123, %broadcast_in_dim3A_1127 : vector<896x896xi1>, vector<896x896xf32>
    %reduce_max3A_1129 = arith.constant dense<0xFF800000> : vector<896xf32>
    %reduce_max3A_1130 = vector.multi_reduction <maximumf>, %select_n3A_1128, %reduce_max3A_1129 [0] : vector<896x896xf32> to vector<896xf32>
    %broadcast_in_dim3A_1131 = vector.shape_cast %reduce_max3A_1130 : vector<896xf32> to vector<1x896xf32>
    %sub3A_1132 = vector.broadcast %broadcast_in_dim3A_1131 : vector<1x896xf32> to vector<896x896xf32>
    %sub3A_1133 = arith.subf %select_n3A_1128, %sub3A_1132 : vector<896x896xf32>
    %exp3A_1134 = math.exp %sub3A_1133 : vector<896x896xf32>
    %jit3A_1135 = arith.constant 0.000000e+00 : f32
    %broadcast_in_dim3A_1136 = vector.shape_cast %lt3A_1 : vector<896x1xi1> to vector<896x1xi1>
    %broadcast_in_dim3A_1137 = vector.broadcast %broadcast_in_dim3A_1136 : vector<896x1xi1> to vector<896x896xi1>
    %broadcast_in_dim3A_1138 = vector.broadcast %jit3A_1135 : f32 to vector<896x896xf32>
    %select_n3A_1139 = arith.select %broadcast_in_dim3A_1137, %exp3A_1134, %broadcast_in_dim3A_1138 : vector<896x896xi1>, vector<896x896xf32>
    %reduce_sum3A_1140 = arith.constant dense<0.000000e+00> : vector<896xf32>
    %reduce_sum3A_1141 = vector.multi_reduction <add>, %select_n3A_1139, %reduce_sum3A_1140 [0] : vector<896x896xf32> to vector<896xf32>
    %broadcast_in_dim3A_1142 = vector.shape_cast %reduce_sum3A_1141 : vector<896xf32> to vector<1x896xf32>
    %div3A_1143 = vector.broadcast %broadcast_in_dim3A_1142 : vector<1x896xf32> to vector<896x896xf32>
    %div3A_1144 = arith.divf %select_n3A_1139, %div3A_1143 : vector<896x896xf32>
    %jit3A_1145 = arith.constant 0.000000e+00 : f32
    %broadcast_in_dim3A_1146 = vector.broadcast %jit3A_1145 : f32 to vector<896x896xf32>
    %select_n3A_1147 = arith.select %eq3A, %div3A_1144, %broadcast_in_dim3A_1146 : vector<896x896xi1>, vector<896x896xf32>
    %reduce_sum3A_1148 = arith.constant dense<0.000000e+00> : vector<896xf32>
    %reduce_sum3A_1149 = vector.multi_reduction <add>, %select_n3A_1147, %reduce_sum3A_1148 [1] : vector<896x896xf32> to vector<896xf32>
    %broadcast_in_dim3A_1150 = vector.shape_cast %reduce_sum3A_1149 : vector<896xf32> to vector<896x1xf32>
    %mul3A_1151 = vector.broadcast %broadcast_in_dim3A_1150 : vector<896x1xf32> to vector<896x384xf32>
    %mul3A_1152 = arith.mulf %mul3A_1151, %add3A_1009 : vector<896x384xf32>
    %mul3A_1153 = arith.mulf %neg3A_14, %div3A_1144 : vector<896x896xf32>
    %dot_general3A_1154 = arith.constant dense<0.000000e+00> : vector<896x384xf32>
    %dot_general3A_1155 = tpu.matmul %mul3A_1153, %mul3A_1152, %dot_general3A_1154 {dimension_numbers = #tpu.dot_dimension_numbers<[1], [0], [0], [1], [0, 0, 1, 1], [], []>, transpose_lhs_hint = false} : vector<896x896xf32>, vector<896x384xf32>, vector<896x384xf32> -> vector<896x384xf32>
    %dot_general3A_1156 = arith.constant dense<0.000000e+00> : vector<896x384xf32>
    %dot_general3A_1157 = tpu.matmul %neg3A_14, %dot_general3A_1155, %dot_general3A_1156 {dimension_numbers = #tpu.dot_dimension_numbers<[1], [0], [0], [1], [0, 0, 1, 1], [], []>, transpose_lhs_hint = false} : vector<896x896xf32>, vector<896x384xf32>, vector<896x384xf32> -> vector<896x384xf32>
    %mul3A_1158 = arith.constant 2.000000e+00 : f32
    %mul3A_1159 = vector.broadcast %mul3A_1158 : f32 to vector<896x384xf32>
    %mul3A_1160 = arith.mulf %mul3A_1159, %dot_general3A_1157 : vector<896x384xf32>
    %sub3A_1161 = arith.subf %mul3A_1160, %mul3A_1152 : vector<896x384xf32>
    %dot_general3A_1162 = arith.constant dense<0.000000e+00> : vector<896x384xf32>
    %dot_general3A_1163 = tpu.matmul %mul3A_1152, %select_n3A_88, %dot_general3A_1162 {dimension_numbers = #tpu.dot_dimension_numbers<[1], [0], [0], [1], [0, 0, 1, 1], [], []>, transpose_lhs_hint = false} : vector<896x384xf32>, vector<384x384xf32>, vector<896x384xf32> -> vector<896x384xf32>
    %dot_general3A_1164 = arith.constant dense<0.000000e+00> : vector<896x384xf32>
    %dot_general3A_1165 = tpu.matmul %dot_general3A_1155, %select_n3A_97, %dot_general3A_1164 {dimension_numbers = #tpu.dot_dimension_numbers<[1], [0], [0], [1], [0, 0, 1, 1], [], []>, transpose_lhs_hint = false} : vector<896x384xf32>, vector<384x384xf32>, vector<896x384xf32> -> vector<896x384xf32>
    %add3A_1166 = arith.addf %dot_general3A_1163, %dot_general3A_1165 : vector<896x384xf32>
    %dot_general3A_1167 = arith.constant dense<0.000000e+00> : vector<896x384xf32>
    %dot_general3A_1168 = tpu.matmul %sub3A_1161, %select_n3A_106, %dot_general3A_1167 {dimension_numbers = #tpu.dot_dimension_numbers<[1], [0], [0], [1], [0, 0, 1, 1], [], []>, transpose_lhs_hint = false} : vector<896x384xf32>, vector<384x384xf32>, vector<896x384xf32> -> vector<896x384xf32>
    %add3A_1169 = arith.addf %add3A_1166, %dot_general3A_1168 : vector<896x384xf32>
    %add3A_1170 = vector.broadcast %concatenate3A_460 : vector<1x384xf32> to vector<896x384xf32>
    %add3A_1171 = arith.addf %add3A_1169, %add3A_1170 : vector<896x384xf32>
    %max3A_1172 = arith.constant 0.000000e+00 : f32
    %max3A_1173 = vector.broadcast %max3A_1172 : f32 to vector<896x384xf32>
    %max3A_1174 = arith.maximumf %add3A_1171, %max3A_1173 : vector<896x384xf32>
    %dot_general3A_1175 = arith.constant dense<0.000000e+00> : vector<896x384xf32>
    %dot_general3A_1176 = tpu.matmul %max3A_1174, %add3A_146, %dot_general3A_1175 {dimension_numbers = #tpu.dot_dimension_numbers<[1], [0], [0], [1], [0, 0, 1, 1], [], []>, transpose_lhs_hint = false} : vector<896x384xf32>, vector<384x384xf32>, vector<896x384xf32> -> vector<896x384xf32>
    %add3A_1177 = vector.broadcast %concatenate3A_464 : vector<1x384xf32> to vector<896x384xf32>
    %add3A_1178 = arith.addf %dot_general3A_1176, %add3A_1177 : vector<896x384xf32>
    %dot_general3A_1179 = arith.constant dense<0.000000e+00> : vector<896x384xf32>
    %dot_general3A_1180 = tpu.matmul %add3A_1009, %select_n3A_153, %dot_general3A_1179 {dimension_numbers = #tpu.dot_dimension_numbers<[1], [0], [0], [1], [0, 0, 1, 1], [], []>, transpose_lhs_hint = false} : vector<896x384xf32>, vector<384x384xf32>, vector<896x384xf32> -> vector<896x384xf32>
    %add3A_1181 = arith.addf %add3A_1178, %dot_general3A_1180 : vector<896x384xf32>
    %add3A_1182 = vector.broadcast %concatenate3A_468 : vector<1x384xf32> to vector<896x384xf32>
    %add3A_1183 = arith.addf %add3A_1181, %add3A_1182 : vector<896x384xf32>
    %max3A_1184 = arith.constant 0.000000e+00 : f32
    %max3A_1185 = vector.broadcast %max3A_1184 : f32 to vector<896x384xf32>
    %max3A_1186 = arith.maximumf %add3A_1183, %max3A_1185 : vector<896x384xf32>
    %dot_general3A_1187 = arith.constant dense<0.000000e+00> : vector<896x384xf32>
    %dot_general3A_1188 = tpu.matmul %max3A_1186, %select_n3A_80, %dot_general3A_1187 {dimension_numbers = #tpu.dot_dimension_numbers<[1], [0], [0], [1], [0, 0, 1, 1], [], []>, transpose_lhs_hint = false} : vector<896x384xf32>, vector<384x384xf32>, vector<896x384xf32> -> vector<896x384xf32>
    %sub3A_1189 = arith.subf %max3A_1186, %dot_general3A_1188 : vector<896x384xf32>
    %mul3A_1190 = arith.mulf %sub3A_1189, %sub3A_1189 : vector<896x384xf32>
    %dot_general3A_1191 = arith.constant dense<0.000000e+00> : vector<896x384xf32>
    %dot_general3A_1192 = tpu.matmul %mul3A_1190, %select_n3A_80, %dot_general3A_1191 {dimension_numbers = #tpu.dot_dimension_numbers<[1], [0], [0], [1], [0, 0, 1, 1], [], []>, transpose_lhs_hint = false} : vector<896x384xf32>, vector<384x384xf32>, vector<896x384xf32> -> vector<896x384xf32>
    %add3A_1193 = arith.constant 9.99999974E-6 : f32
    %add3A_1194 = vector.broadcast %add3A_1193 : f32 to vector<896x384xf32>
    %add3A_1195 = arith.addf %dot_general3A_1192, %add3A_1194 : vector<896x384xf32>
    %rsqrt3A_1196 = math.rsqrt %add3A_1195 : vector<896x384xf32>
    %mul3A_1197 = arith.mulf %sub3A_1189, %rsqrt3A_1196 : vector<896x384xf32>
    %mul3A_1198 = vector.broadcast %concatenate3A_472 : vector<1x384xf32> to vector<896x384xf32>
    %mul3A_1199 = arith.mulf %mul3A_1197, %mul3A_1198 : vector<896x384xf32>
    %add3A_1200 = vector.broadcast %concatenate3A_476 : vector<1x384xf32> to vector<896x384xf32>
    %add3A_1201 = arith.addf %mul3A_1199, %add3A_1200 : vector<896x384xf32>
    %get3A_1202 = arith.constant 0 : index
    %get3A_1203 = arith.constant 0 : index
    %get3A_1204 = vector.load %arg38[%get3A_1202, %get3A_1203] : memref<384x12xf32, #tpu.memory_space<vmem>>, vector<384x12xf32>
    %dot_general3A_1205 = arith.constant dense<0.000000e+00> : vector<896x12xf32>
    %dot_general3A_1206 = tpu.matmul %add3A_1201, %get3A_1204, %dot_general3A_1205 {dimension_numbers = #tpu.dot_dimension_numbers<[1], [0], [0], [1], [0, 0, 1, 1], [], []>, transpose_lhs_hint = false} : vector<896x384xf32>, vector<384x12xf32>, vector<896x12xf32> -> vector<896x12xf32>
    %get3A_1207 = arith.constant 0 : index
    %get3A_1208 = arith.constant 0 : index
    %get3A_1209 = vector.load %arg39[%get3A_1207, %get3A_1208] : memref<1x12xf32, #tpu.memory_space<vmem>>, vector<1x12xf32>
    %add3A_1210 = vector.broadcast %get3A_1209 : vector<1x12xf32> to vector<896x12xf32>
    %add3A_1211 = arith.addf %dot_general3A_1206, %add3A_1210 : vector<896x12xf32>
    %max3A_1212 = arith.constant 0.000000e+00 : f32
    %max3A_1213 = vector.broadcast %max3A_1212 : f32 to vector<896x12xf32>
    %max3A_1214 = arith.maximumf %add3A_1211, %max3A_1213 : vector<896x12xf32>
    %swap3A_1215 = arith.constant 1 : index
    %swap3A_1216 = arith.constant 0 : index
    %swap3A_1217 = arith.constant 0 : index
    %swap3A_1218 = vector.load %arg40[%swap3A_1215, %swap3A_1216, %swap3A_1217] : memref<2x896x12xf32, #tpu.memory_space<vmem>>, vector<1x896x12xf32>
    %swap3A_1219 = vector.shape_cast %swap3A_1218 : vector<1x896x12xf32> to vector<896x12xf32>
    %swap3A_1220 = vector.shape_cast %max3A_1214 : vector<896x12xf32> to vector<1x896x12xf32>
    tpu.vector_store %arg40[%swap3A_1215, %swap3A_1216, %swap3A_1217], %swap3A_1220 {strides = array<i32>} : memref<2x896x12xf32, #tpu.memory_space<vmem>>, vector<1x896x12xf32>,
    return
  }
}

</mosaic_0001>

<sc_bundles>
// kernel: kernel.4.cloned.1.call-start
scs
__scs_entry_jumppad:
0x0: {  	(pc) =	sbr.rel $0x88, $3  }
0x1: {  	(tag) =	ssettag $0x0;
	lr =	simm.s32 $0x1  }
0x2: {  	[smem:$0x3F79] =	sst lr;
	_ =	strace $0xD0000000  }
0x3: {  	_ = 	snop  }
0x4: {  	_ = 	snop  }
0x5: {  	_ = 	snop  }
0x6: {  	_ = 	snop  }
0x7: {  	_ = 	snop  }
__scs_overlays_trampoline_lowered:
0x8: {  	[smem:$0x3F88] =	sst s0  }
0x9: {  	[smem:$0x3F89] =	sst s1  }
0xa: {  	[smem:$0x3F8A] =	sst s2  }
0xb: {  	[smem:$0x3F8B] =	sst s3  }
0xc: {  	[smem:$0x3F8C] =	sst s4  }
0xd: {  	[smem:$0x3F8D] =	sst s5  }
0xe: {  	[smem:$0x3F8E] =	sst s6  }
0xf: {  	[smem:$0x3F8F] =	sst s7  }
0x10: {  	[smem:$0x3F90] =	sst s8  }
0x11: {  	[smem:$0x3F91] =	sst s9;
	s0 =	simm.s32 @!p0 $0x0  }
0x12: {  	s1 =	sld [smem:$0x3F77];
	s0 =	simm.s32 @p0 $0x1  }
0x13: {  	[smem:$0x3F92] =	sst s0;
	s0 =	simm.s32 @!p1 $0x0  }
0x14: {  	s2 =	sld [smem:$0x3F76];
	s0 =	simm.s32 @p1 $0x1  }
0x15: {  	[smem:$0x3F93] =	sst s0;
	s0 =	simm.s32 @!p2 $0x0  }
0x16: {  	s3 =	sld [smem:$0x3FDB];
	s0 =	simm.s32 @p2 $0x1  }
0x17: {  	s4 =	simm.s32 $0x1BF5;
	[smem:$0x3F95] =	sst s0  }
0x18: {  	s0 =	sld [smem:$0x3F78];
	_ =	swait.ge [sflag:s4], $0x0  }
0x19: {  	s7 =	sld [smem:$0x3F79]  }
0x1a: {  	s8 =	sadd.s32 $0xFFFFE003, lr  }
0x1b: {  	s9 =	sadd.s32 $0xFFFFFEF7, lr;
	s5 =	simm.s32 $0xFFFFFFFF;
	p2 =	slt.u32 s8, $0xFFFFF086  }
0x1c: {  	p1 =	slt.u32 s9, $0xF7A;
	s5 =	simm.s32 @!p2 $0x0  }
0x1d: {  	s5 =	simm.s32 @p1 $0x1;
	p0 =	seq.s32 s7, s2  }
0x1e: {  	s7 =	smul.u32 @!p0 $0xF7A, s2;
	p2 =	seq.s32 @!p0 s5, $0x0  }
0x1f: {  	s9 =	smul.u32 $0xF7A, s1;
	s8 =	simm.s32 @!p0 $0x1BF5;
	p2 =	por !p2, p0  }
0x20: {  	[sflag:s8] =	ssyncset.s32 @!p0 $0xFFFFF086;
	s6 =	sadd.s32 @!p0 s3, s7;
	s7 =	simm.s32 @!p0 $0x108  }
0x21: {  	s3 =	sadd.s32 s3, s9;
	s6 =	sadd.s32 @!p0 $0x88, s6;
	s7 =	simm.s32 @p2 $0x1082  }
0x22: {  	[simem:s7], [sflag:s8] =	dma.local @!p0 [hbm:s6], $0xF7A  }
0x23: {  	s9 =	sor.u32 $0xD0000000, s2;
	s6 =	simm.s32 $0x108;
	_ =	swait.ge @!p0 [sflag:s8], $0x0  }
0x24: {  	s3 =	sadd.s32 $0x88, s3;
	s6 =	simm.s32 @!p1 $0x1082;
	[sflag:s4] =	ssyncset.s32 $0xFFFFF086  }
0x25: {  	[simem:s6], [sflag:s4] =	dma.local [hbm:s3], $0xF7A  }
0x26: {  	[smem:$0x3F79] =	sst s1;
	(tag) =	ssettag s2;
	_ =	strace s9  }
0x27: {  	s1 =	sld [smem:$0x3F89]  }
0x28: {  	s2 =	sld [smem:$0x3F8A]  }
0x29: {  	s4 =	sld [smem:$0x3F8C]  }
0x2a: {  	p0 =	seq.s32 s5, $0x0;
	s5 =	sld [smem:$0x3F8D]  }
0x2b: {  	s6 =	sld [smem:$0x3F8E]  }
0x2c: {  	s7 =	sld [smem:$0x3F8F]  }
0x2d: {  	s3 =	simm.s32 $0x108;
	s8 =	sld [smem:$0x3F90]  }
0x2e: {  	s3 =	simm.s32 @!p0 $0x1082;
	s9 =	sld [smem:$0x3F91]  }
0x2f: {  	lr =	sadd.s32 s0, s3;
	s0 =	sld [smem:$0x3F88]  }
0x30: {  	s3 =	sld [smem:$0x3F8B]  }
0x31: {  	[smem:$0x3F94] =	sst s10  }
0x32: {  	s10 =	sld [smem:$0x3F92];
	_ =	sdelay $0x3  }
0x33: {  	p0 =	seq.s32 s10, $0x1;
	s10 =	sld [smem:$0x3F94];
	_ =	sdelay $0x3  }
0x34: {  	[smem:$0x3F94] =	sst s10  }
0x35: {  	s10 =	sld [smem:$0x3F93];
	_ =	sdelay $0x3  }
0x36: {  	p1 =	seq.s32 s10, $0x1;
	s10 =	sld [smem:$0x3F94];
	_ =	sdelay $0x3  }
0x37: {  	[smem:$0x3F94] =	sst s10  }
0x38: {  	s10 =	sld [smem:$0x3F95]  }
0x39: {  	_ = 	snop;
	(pc) =	sbr.ind lr, $3  }
0x3a: {  	_ = 	snop  }
0x3b: {  	_ = 	snop  }
0x3c: {  	p2 =	seq.s32 s10, $0x1;
	s10 =	sld [smem:$0x3F94]  }
0x3d: {  	_ =	shalt  }
0x3e: {  	_ =	shalt  }
0x3f: {  	_ =	shalt  }
0x40: {  	_ =	shalt  }
0x41: {  	_ =	shalt  }
0x42: {  	_ =	shalt  }
0x43: {  	_ =	shalt  }
0x44: {  	_ =	shalt  }
0x45: {  	_ =	shalt  }
0x46: {  	_ =	shalt  }
0x47: {  	_ =	shalt  }
0x48: {  	_ =	shalt  }
0x49: {  	_ =	shalt  }
0x4a: {  	_ =	shalt  }
0x4b: {  	_ =	shalt  }
0x4c: {  	_ =	shalt  }
0x4d: {  	_ =	shalt  }
0x4e: {  	_ =	shalt  }
0x4f: {  	_ =	shalt  }
0x50: {  	_ =	shalt  }
0x51: {  	_ =	shalt  }
0x52: {  	_ =	shalt  }
0x53: {  	_ =	shalt  }
0x54: {  	_ =	shalt  }
0x55: {  	_ =	shalt  }
0x56: {  	_ =	shalt  }
0x57: {  	_ =	shalt  }
0x58: {  	_ =	shalt  }
0x59: {  	_ =	shalt  }
0x5a: {  	_ =	shalt  }
0x5b: {  	_ =	shalt  }
0x5c: {  	_ =	shalt  }
0x5d: {  	_ =	shalt  }
0x5e: {  	_ =	shalt  }
0x5f: {  	_ =	shalt  }
0x60: {  	_ =	shalt  }
0x61: {  	_ =	shalt  }
0x62: {  	_ =	shalt  }
0x63: {  	_ =	shalt  }
0x64: {  	_ =	shalt  }
0x65: {  	_ =	shalt  }
0x66: {  	_ =	shalt  }
0x67: {  	_ =	shalt  }
0x68: {  	_ =	shalt  }
0x69: {  	_ =	shalt  }
0x6a: {  	_ =	shalt  }
0x6b: {  	_ =	shalt  }
0x6c: {  	_ =	shalt  }
0x6d: {  	_ =	shalt  }
0x6e: {  	_ =	shalt  }
0x6f: {  	_ =	shalt  }
0x70: {  	_ =	shalt  }
0x71: {  	_ =	shalt  }
0x72: {  	_ =	shalt  }
0x73: {  	_ =	shalt  }
0x74: {  	_ =	shalt  }
0x75: {  	_ =	shalt  }
0x76: {  	_ =	shalt  }
0x77: {  	_ =	shalt  }
0x78: {  	_ =	shalt  }
0x79: {  	_ =	shalt  }
0x7a: {  	_ =	shalt  }
0x7b: {  	_ =	shalt  }
0x7c: {  	_ =	shalt  }
0x7d: {  	_ =	shalt  }
0x7e: {  	_ =	shalt  }
0x7f: {  	_ =	shalt  }
0x80: {  	_ =	shalt  }
0x81: {  	_ =	shalt  }
0x82: {  	_ =	shalt  }
0x83: {  	_ =	shalt  }
0x84: {  	_ =	shalt  }
0x85: {  	_ =	shalt  }
0x86: {  	_ =	shalt  }
0x87: {  	_ =	shalt  }
.Lfunc_end0:
.L_simem_size_0:
called_computation_lowered:
.L_overlay_start_0:
0x88: {  	s2 =	sld [smem:$0x3FD9]  }
0x89: {  	s3 =	sld [smem:$0x3FFE];
	_ =	sdelay $0x1  }
0x8a: {  	s1 =	srdreg.scid  }
0x8b: {  	s0 =	sand.u32 $0x1, s1  }
0x8c: {  	s17 =	sshll.u32 s0, $0xA;
	s2 =	sadd.s32 s3, s2  }
0x8d: {  	s2 =	sadd.s32 s2, s17  }
0x8e: {  	[smem:$0x3FA0] =	sst s2  }
0x8f: {  	_ = 	snop  }
0x90: {  	s2 =	sld [smem:$0x3FC8];
	(tm) =	ssettm $0x1  }
0x91: {  	s18 =	sld [smem:$0x3FFB];
	_ =	sdelay $0x3  }
0x92: {  	_ =	strace s18  }
0x93: {  	s3 =	sld [smem:$0x3FFC];
	_ =	sdelay $0x3  }
0x94: {  	_ =	strace s3  }
0x95: {  	s3 =	sld [smem:$0x3FFD];
	_ =	sdelay $0x3  }
0x96: {  	_ =	strace s3  }
0x97: {  	_ =	strace $0x8FFFFFFF  }
0x98: {  	s19 =	sld [smem:$0x3FDB];
	_ =	sdelay $0x1  }
0x99: {  	s4 =	simm.s32 $_scs_section_size  }
0x9a: {  	s5 =	simm.s32 $_size__tile_overlayer_lowered;
	s6 =	simm.s32 $_tile_overlayer_lowered  }
0x9b: {  	s22 =	simm.s32 $0x1BFF;
	s21 =	sshll.u32 s6, $0x1;
	s3 =	sadd.s32 s4, s19  }
0x9c: {  	s7 =	simm.s32 $0x0;
	s20 =	sshll.u32 s5, $0x1;
	s5 =	sadd.s32 s21, s3  }
0x9d: {  	[timem:s7], [sflag:s22] =	dma.local [hbm:s5], s20  }
0x9e: {  	_ =	swait.ge [sflag:s22], s20  }
0x9f: {  	s4 =	ssub.s32 $0x0, s20;
	[sflag:s22] =	ssyncset.done $0x0  }
0xa0: {  	[sflag:s22] =	ssyncadd.s32 s4;
	_ =	sdelay $0x1  }
0xa1: {  	s23 =	simm.s32 $0x1B8B  }
0xa2: {  	_ =	swait.ge [sflag:s23], $0x1  }
0xa3: {  	[sflag:s23] =	ssyncset.done $0x0  }
0xa4: {  	s25 =	simm.s32 $0x1B8E;
	s24 =	sld [smem:$0x3FFE];
	[sflag:s23] =	ssyncadd.s32 $0xFFFFFFFF  }
0xa5: {  	s26 =	simm.s32 $execute0_lowered;
	[smem:$0x3FD2] =	sst s25  }
0xa6: {  	s5 =	sshll.u32 s26, $0x1;
	_ =	strace $0x80000046;
	[dreg:$0x1] =	wrdreg $0xFFFFFFFF  }
0xa7: {  	s28 =	simm.s32 $_size_execute0_lowered;
	s3 =	sadd.s32 s3, s5;
	[dreg:$0x0] =	wrdreg $0x0  }
0xa8: {  	s5 =	sshll.u32 s28, $0x1;
	[dreg:$0x2] =	wrdreg s3  }
0xa9: {  	[dreg:$0x3] =	wrdreg s5  }
0xaa: {  	[dreg:$0x4] =	wrdreg $0xC0  }
0xab: {  	_ =	task [dreg:s7], $0x5FFFF  }
0xac: {  	[dreg:$0x1] =	wrdreg $0xFFFFFFFF  }
0xad: {  	[dreg:$0x0] =	wrdreg $0x60  }
0xae: {  	[dreg:$0x2] =	wrdreg s2  }
0xaf: {  	[dreg:$0x3] =	wrdreg s24  }
0xb0: {  	[dreg:$0x4] =	wrdreg $0x9  }
0xb1: {  	_ =	task.clear_ibuf [dreg:s7], $0x5FFFF;
	_ =	strace $0x90000046  }
0xb2: {  	s29 =	simm.s32 $0x9;
	_ =	strace $0x80000048  }
0xb3: {  	_ =	swait.ge [sflag:s29], $0x1  }
0xb4: {  	[sflag:s29] =	ssyncadd.s32 $0xFFFFFFFF  }
0xb5: {  	_ =	strace $0x90000048  }
0xb6: {  	_ =	sfence  }
0xb7: {  	s30 =	sld [smem:$0x0];
	_ =	sdelay $0x2  }
0xb8: {  	s31 =	sshll.u32 s1, $0xD;
	s1 =	sshrl.u32 s1, $0x2  }
0xb9: {  	s3 =	sand.u32 $0x4000, s31;
	s1 =	sadd.s32 s1, s30  }
0xba: {  	s0 =	sor.u32 s3, s0;
	s1 =	sshll.u32 s1, $0x11  }
0xbb: {  	s0 =	sor.u32 s1, s0  }
0xbc: {  	s0 =	sadd.s32 $0x8F2B, s0  }
0xbd: {  	[sflag:s0] =	ssyncadd.remote.s32 $0x1  }
0xbe: {  	_ =	sfence.sel $0xFFFF  }
0xbf: {  	[dreg:$0x0] =	wrdreg $0xFFFFFFFF;
	(pc) =	sbr.abs _section_cstart, $3  }
0xc0: {  	[dreg:$0x1] =	wrdreg $0xFFFFFFFF  }
0xc1: {  	_ =	task.clear_ibuf [dreg:s7], $0x2FFFF;
	_ =	strace $0x9FFFFFFF  }
0xc2: {  	(tm) =	ssettm $0x7FFFFFFF  }
0xc3: {  	_ =	shalt  }
tec
execute0_lowered:
.L_overlay_start_1:
0x0: {  	(tag) =	ssettag $0x1  }
0x1: {  	s1 =	srdreg.scid  }
0x2: {  	s0 =	stileid.u32;
	s2 =	rddreg [dreg:$0x0]  }
0x3: {  	s6 =	rddreg [dreg:$0x1];
	s3 =	simm.s32 $0x0;
	s9 =	simm.s32 $0x1  }
0x4: {  	s10 =	simm.s32 $0x3780;
	s12 =	simm.s32 $0x400;
	s13 =	simm.s32 $0x0  }
0x5: {  	s4 =	sand.u32 $0x1, s1;
	s26 =	sshll.u32 s0, $0x1;
	s28 =	sshrl.u32 s0, $0x2  }
0x6: {  	s1 =	rddreg [dreg:$0x2];
	s5 =	sor.u32 s4, s26;
	s7 =	smul.u32 $0x31000, s28  }
0x7: {  	[smem:$0x7FF] =	sst s3;
	s8 =	sshll.u32 s5, $0x7;
	s29 =	smul.u32 $0x1C, s5  }
0x8: {  	s4 =	ssub.s32 $0x2, s4;
	_ =	strace $0x80000047;
	s8 =	sand.u32 $0x380, s8  }
0x9: {  	s31 =	sshrl.u32 s4, $0x1;
	s7 =	sor.u32 s7, s8;
	s11 =	sadd.s32 $0x1C, s29  }
0xa: {  	s8 =	simm.s32 $0x100;
	s7 =	sshrl.u32 s7, $0x3;
	v1 =	vmov s11;
	s11 =	simm.s32 $0x6F00  }
0xb: {  	s30 =	sadd.s32 s7, s6;
	s6 =	ssub.s32 s4, s31;
	s4 =	sadd.s32 $0x10, s2  }
0xc: {  	v2 =	vimm.f32 $0.0e+00;
	v3 =	vimm.f32 $1.000000000e+00;
	v0 =	vmov s29;
	s7 =	simm.s32 $0x80;
	s5 =	sadd.s32 $0x4E00, s30;
	s6 =	smax.u32 s6, $0x1  }
.LBB2_1:
0xd: {  	[tilespmem:s3], [sflag:$0x1] =	stream.strided.gather [hbm4b:s2+s7], $0x3780, s8, s7, $0x38;
	[tilespmem:$0xD100] =	vst v63  }
0xe: {  	_ =	swait.ge [sflag:s9], $0x3780  }
0xf: {  	[sflag:s9] =	ssyncset.done $0x0  }
0x10: {  	[sflag:s9] =	ssyncadd.s32 $0xFFFFC880  }
0x11: {  	[tilespmem:s10], [sflag:$0x1] =	stream.strided.gather [hbm4b:s4+s7], $0x3780, s8, s7, $0x38;
	[tilespmem:$0xD100] =	vst v63  }
0x12: {  	_ =	swait.ge [sflag:s9], $0x3780  }
0x13: {  	[sflag:s9] =	ssyncset.done $0x0  }
0x14: {  	s14 =	simm.s32 $0x0;
	[sflag:s9] =	ssyncadd.s32 $0xFFFFC880  }
.LBB2_2:
0x15: {  	p0 =	sne.s32 s14, $0x187C0  }
.Ltmp0:
0x16: {  	_ = 	snop;
	(pc) =	sbr.rel @p0 .LBB2_2-.Ltmp0, $3  }
0x17: {  	_ =	sdelay $0x1  }
0x18: {  	s15 =	sshra.s32 s14, $0x2  }
0x19: {  	s14 =	sadd.s32 $0x40, s14;
	[tilespmem:s15+$0x6F00] =	vst v2  }
0x1a: {  	s15 =	simm.s32 $0x0;
	s14 =	simm.s32 $0x40  }
.LBB2_4:
0x1b: {  	p0 =	sne.s32 s14, $0xDC80;
	v4 =	vld [tilespmem:s15+$0x0];
	_ =	sdelay $0x1  }
0x1c: {  	v5 =	vld [tilespmem:s15+$0x3780];
	_ =	sdelay $0x2  }
0x1d: {  	v6 =	vsub.s32 v4, v0  }
0x1e: {  	vm0 =	vge.s32 v4, v0;
	vm1 =	vlt.s32 v4, v1;
	v6 =	vmul.u32 $0x380, v6  }
0x1f: {  	vm0 =	vmand vm0, vm1;
	vm1 =	vne.s32 v4, v5  }
0x20: {  	vm0 =	vmand vm0, vm1;
	v4 =	vadd.s32 v5, v6  }
0x21: {  	v4 =	vnsel vm0, $0x0, v4  }
.Ltmp1:
0x22: {  	(pc) =	sbr.rel @p0 .LBB2_4-.Ltmp1, $2  }
0x23: {  	_ =	sdelay $0x2  }
0x24: {  	s15 =	sshra.s32 s14, $0x2;
	s14 =	sadd.s32 $0x40, s14;
	[tilespmem:v4+s11+$0x0] =	vst.idx.add.f32.msk vm0, v3  }
0x25: {  	v4 =	vld [tilespmem:s15+$0x0];
	_ =	sdelay $0x1  }
0x26: {  	v5 =	vld [tilespmem:s15+$0x3780];
	_ =	sdelay $0x2  }
0x27: {  	v6 =	vsub.s32 v4, v0  }
0x28: {  	vm0 =	vge.s32 v4, v0;
	vm1 =	vlt.s32 v4, v1;
	v6 =	vmul.u32 $0x380, v6  }
0x29: {  	vm15 =	vne.s32 v4, v5;
	vm0 =	vmand vm0, vm1  }
0x2a: {  	vm0 =	vmand vm0, vm15;
	v4 =	vadd.s32 v5, v6  }
0x2b: {  	v4 =	vnsel vm0, $0x0, v4;
	_ =	sdelay $0x2  }
0x2c: {  	s13 =	sadd.s32 $0x1, s13  }
0x2d: {  	p0 =	sne.s32 s13, s6  }
.Ltmp2:
0x2e: {  	[tilespmem:v4+s11+$0x0] =	vst.idx.add.f32.msk vm0, v3;
	(pc) =	sbr.rel @p0 .LBB2_1-.Ltmp2, $4  }
0x2f: {  	[hbm4b:s5+s7] =	stream.strided.scatter [tilespmem:s11], [sflag:$0x1], $0x6200, s12, s7, $0x38;
	[tilespmem:$0xD100] =	vst v63  }
0x30: {  	_ =	swait.ge [sflag:s9], $0x6200  }
0x31: {  	[sflag:s9] =	ssyncset.done $0x0  }
0x32: {  	[sflag:s9] =	ssyncadd.s32 $0xFFFF9E00  }
0x33: {  	_ =	sfence.sel $0x180000  }
0x34: {  	[bflag:$0x0] =	sbarrier.arrive $0xFFFF  }
0x35: {  	p0 =	sne.s32 s0, $0x0;
	_ =	strace $0x90000047  }
0x36: {  	s0 =	sadd.s32 @!p0 $0x100000, s1;
	[bflag:$0x2] =	sbarrier.arrive $0xFFFF  }
0x37: {  	[sflag:s0] =	ssyncadd.tile.s32 @!p0 $0x1;
	_ =	shalt  }
.Lfunc_end2:
_tile_overlayer_lowered:
.L_overlay_start_2:
0x38: {  	(tag) =	ssettag $0x2  }
0x39: {  	s0 =	rddreg [dreg:$0x0];
	s2 =	stileid.u32  }
0x3a: {  	s1 =	rddreg [dreg:$0x1];
	p0 =	sne.s32 s2, $0x0  }
0x3b: {  	s3 =	rddreg [dreg:$0x2];
	[bflag:$0x3] =	sbarrier.arrive $0xFFFF;
	s2 =	simm.s32 @!p0 $0x1C01  }
0x3c: {  	[timem:s3], [sflag:s2] =	dma.local @!p0 [hbm:s0], s1  }
0x3d: {  	s0 =	simm.s32 @!p0 $0x1  }
0x3e: {  	_ =	swait.ge @!p0 [sflag:s0], s1  }
0x3f: {  	s1 =	ssub.s32 @!p0 $0x0, s1;
	[sflag:s0] =	ssyncset.done @!p0 $0x0  }
0x40: {  	[sflag:s0] =	ssyncadd.s32 @!p0 s1  }
0x41: {  	[bflag:$0x3] =	sbarrier.arrive $0xFFFF  }
0x42: {  	_ =	shalt  }

</sc_bundles>
